<compile_context>
chip_gen: v7x
topology: tpu7x:2x2x1
jax: 0.10.2.dev20260603
libtpu: 0.0.44.dev20260713+nightly
codegen_flags: <defaults>
</compile_context>

<pallas_src>
import functools

import jax
import jax.numpy as jnp
from jax import lax
from jax.experimental import pallas as pl
from jax.experimental.pallas import tpu as pltpu
from jax.experimental.pallas import tpu_sc as plsc

_NC = 2
_NS = 16
_L = 16
_NW = _NC * _NS

_N = 4096
_E = 262144
_EW = _E // _NW
_CH = 128
_NCH = _EW // _CH
_VPC = _CH // _L
_QD = 8
_NG = 2
_LAMBDA = 2.0
_ZCH = _N // _NS


def _scatter_chunk(probv, hist_sh, scs, ssem, j):
    return pltpu.make_async_copy(probv.at[j], hist_sh.at[scs.at[j]], ssem)


def _sc_body(dist_hbm, src_hbm, dst_hbm, logit_hbm, hist_out, pd_out,
             srcv, dstv, logv, scs, idxv, gathv, probv, pdv, zv, hist_sh,
             sem, ssem, *gsems):
    c = lax.axis_index("c")
    s = lax.axis_index("s")
    wid = s * _NC + c
    base = wid * _EW

    cp1 = pltpu.async_copy(src_hbm.at[pl.ds(base, _EW)], srcv, sem)
    cp2 = pltpu.async_copy(dst_hbm.at[pl.ds(base, _EW)], dstv, sem)
    cp3 = pltpu.async_copy(logit_hbm.at[pl.ds(base, _EW)], logv, sem)

    for i in range(_ZCH // _L):
        zv[pl.ds(i * _L, _L)] = jnp.zeros((_L,), jnp.float32)
    cp1.wait()
    cp2.wait()
    cp3.wait()
    pltpu.sync_copy(zv, hist_sh.at[pl.ds(s * _ZCH, _ZCH)])
    plsc.subcore_barrier()

    def _ibody(j, _):
        for b in range(_VPC):
            o = b * _L
            off = j * _CH + o
            sv = srcv[pl.ds(off, _L)]
            dv = dstv[pl.ds(off, _L)]
            phys = ((sv >> 3) << 15) + ((dv >> 7) << 10) + ((sv & 7) << 7) \
                + (dv & 127)
            idxv[pl.ds(off, _L)] = phys
            scs[j, pl.ds(o, _L)] = sv
        return 0

    _CPG = _NCH // _NG
    _EG = _EW // _NG
    for g in range(_NG):
        lax.fori_loop(g * _CPG, (g + 1) * _CPG, _ibody, 0)
        pltpu.async_copy(
            dist_hbm.at[idxv.at[pl.ds(g * _EG, _EG)]],
            gathv.at[pl.ds(g * _EG, _EG)], gsems[g])

    def _chunk(j, _):
        for b in range(_VPC):
            x = logv[pl.ds(j * _CH + b * _L, _L)]
            probv[j, pl.ds(b * _L, _L)] = 1.0 / (1.0 + jnp.exp(-x))
        pltpu.async_copy(probv.at[j], hist_sh.at[scs.at[j]], ssem, add=True)

        @pl.when(j >= _QD)
        def _():
            _scatter_chunk(probv, hist_sh, scs, ssem, j - _QD).wait()
        return 0
    lax.fori_loop(0, _NCH, _chunk, 0)
    for k in range(_QD):
        _scatter_chunk(probv, hist_sh, scs, ssem, _NCH - _QD + k).wait()

    def _dbody(j, acc):
        for b in range(_VPC):
            acc = acc + probv[j, pl.ds(b * _L, _L)] \
                * gathv[pl.ds(j * _CH + b * _L, _L)]
        return acc
    acc = jnp.zeros((_L,), jnp.float32)
    for g in range(_NG):
        pltpu.make_async_copy(
            dist_hbm.at[idxv.at[pl.ds(g * _EG, _EG)]],
            gathv.at[pl.ds(g * _EG, _EG)], gsems[g]).wait()
        acc = lax.fori_loop(g * _CPG, (g + 1) * _CPG, _dbody, acc)
    pdv[...] = acc
    pltpu.sync_copy(pdv, pd_out.at[pl.ds(wid * _L, _L)])

    plsc.subcore_barrier()
    pltpu.sync_copy(hist_sh.at[pl.ds(s * _ZCH, _ZCH)],
                    hist_out.at[pl.ds(c * _N + s * _ZCH, _ZCH)])


_sc_call = functools.partial(
    pl.kernel,
    out_type=[
        jax.ShapeDtypeStruct((_NC * _N,), jnp.float32),
        jax.ShapeDtypeStruct((_NW * _L,), jnp.float32),
    ],
    mesh=plsc.VectorSubcoreMesh(
        core_axis_name="c", subcore_axis_name="s",
        num_cores=_NC, num_subcores=_NS),
    scratch_types=[
        pltpu.VMEM((_EW,), jnp.int32),
        pltpu.VMEM((_EW,), jnp.int32),
        pltpu.VMEM((_EW,), jnp.float32),
        pltpu.VMEM((_NCH, _CH), jnp.int32),
        pltpu.VMEM((_EW,), jnp.int32),
        pltpu.VMEM((_EW,), jnp.float32),
        pltpu.VMEM((_NCH, _CH), jnp.float32),
        pltpu.VMEM((_L,), jnp.float32),
        pltpu.VMEM((_ZCH,), jnp.float32),
        pltpu.VMEM_SHARED((_N,), jnp.float32),
        pltpu.SemaphoreType.DMA,
        pltpu.SemaphoreType.DMA,
        pltpu.SemaphoreType.DMA,
        pltpu.SemaphoreType.DMA,
    ],
)(_sc_body)


def _tc_reduce(h_ref, pd_ref, out_ref):
    wd = h_ref[0:_N] + h_ref[_N:2 * _N]
    d = wd - 2.0
    loss_deg = jnp.sum(d * d) * (1.0 / _N)
    loss_dist = jnp.sum(pd_ref[...])
    out_ref[0, 0] = loss_dist + _LAMBDA * loss_deg


_tc_call = pl.pallas_call(
    _tc_reduce,
    out_shape=jax.ShapeDtypeStruct((1, 1), jnp.float32),
    out_specs=pl.BlockSpec(memory_space=pltpu.SMEM),
)


def kernel(edge_logits, distances, edge_index, num_nodes):
    del num_nodes
    src = edge_index[0].astype(jnp.int32)
    dst = edge_index[1].astype(jnp.int32)
    dist_flat = (distances.reshape(_N // 8, 8, _N // 128, 128)
                 .transpose(0, 2, 1, 3).reshape(_N * _N))
    hist, pd = _sc_call(dist_flat, src, dst, edge_logits)
    res = _tc_call(hist, pd)
    return res[0, 0]

# --- scband reference (transcript-rebuilt; emitter-appended) ---
"""Pipeline reference for scband-edge-heatmap-loss-87479893885742 (READ-ONLY COPY).

The authoritative reference and input builder live on the scoring server;
editing this copy changes nothing except your own understanding.
"""

import jax, jax.numpy as jnp
import numpy as np

N_NODES = 4096
N_EDGES = 262144
LAMBDA_DEG = 2.0

def setup_inputs(seed: int = 0) -> dict:
    key = jax.random.key(seed)
    k1, k2, k3 = jax.random.split(key, 3)
    edge_logits = jax.random.normal(k1, (N_EDGES,), dtype=jnp.float32)
    distances = jax.random.uniform(k2, (N_NODES, N_NODES), dtype=jnp.float32)
    edge_index = jax.random.randint(k3, (2, N_EDGES), 0, N_NODES, dtype=jnp.int64)
    return {"edge_logits": edge_logits, "distances": distances, "edge_index": edge_index, "num_nodes": N_NODES}

def reference(edge_logits, distances, edge_index, num_nodes):
    edge_probs = jax.nn.sigmoid(edge_logits)
    # gather pairwise distances for each edge: distances[src, dst]
    edge_distances = distances[edge_index[0], edge_index[1]]
    loss_dist = (edge_probs * edge_distances).sum()
    # scatter-add edge probabilities onto source nodes -> weighted degree
    weighted_degree = jax.ops.segment_sum(edge_probs, edge_index[0], num_segments=distances.shape[0])
    loss_deg = ((weighted_degree - 2.0) ** 2).sum() / num_nodes
    return loss_dist + LAMBDA_DEG * loss_deg

if __name__ == "__main__":
    import jax
    _d = setup_inputs()
    print(jax.jit(kernel)(*tuple(_d.values())))

</pallas_src>

<mosaic_0001>
#map = affine_map<(d0, d1) -> (0)>
module attributes {stable_mosaic.version = 14 : i64} {
  func.func @_sc_body(%arg0: i32, %arg1: i32, %arg2: memref<16777216xf32, #tpu.memory_space<hbm>>, %arg3: memref<262144xi32, #tpu.memory_space<hbm>>, %arg4: memref<262144xi32, #tpu.memory_space<hbm>>, %arg5: memref<262144xf32, #tpu.memory_space<hbm>>, %arg6: memref<8192xf32, #tpu.memory_space<hbm>>, %arg7: memref<512xf32, #tpu.memory_space<hbm>>, %arg8: memref<8192xi32, #tpu.memory_space<vmem>>, %arg9: memref<8192xi32, #tpu.memory_space<vmem>>, %arg10: memref<8192xf32, #tpu.memory_space<vmem>>, %arg11: memref<64x128xi32, #tpu.memory_space<vmem>>, %arg12: memref<8192xi32, #tpu.memory_space<vmem>>, %arg13: memref<8192xf32, #tpu.memory_space<vmem>>, %arg14: memref<64x128xf32, #tpu.memory_space<vmem>>, %arg15: memref<16xf32, #tpu.memory_space<vmem>>, %arg16: memref<256xf32, #tpu.memory_space<vmem>>, %arg17: memref<4096xf32, #tpu.memory_space<vmem_shared>>, %arg18: memref<!tpu.dma_semaphore, #tpu.memory_space<semaphore_mem>>, %arg19: memref<!tpu.dma_semaphore, #tpu.memory_space<semaphore_mem>>, %arg20: memref<!tpu.dma_semaphore, #tpu.memory_space<semaphore_mem>>, %arg21: memref<!tpu.dma_semaphore, #tpu.memory_space<semaphore_mem>>) attributes {dimension_semantics = [#tpu.dimension_semantics<core_parallel>, #tpu.dimension_semantics<subcore_parallel>], iteration_bounds = array<i64: 2, 16>, scalar_prefetch = 0 : i64, scratch_operands = 14 : i64, tpu.core_type = #tpu.core_type<sc_vector_subcore>, window_params = [{transform_indices = #map}, {transform_indices = #map}, {transform_indices = #map}, {transform_indices = #map}, {transform_indices = #map}, {transform_indices = #map}]} {
    %mul3A = arith.constant 2 : i32
    %mul3A_0 = arith.muli %arg1, %mul3A : i32
    %add3A = arith.addi %mul3A_0, %arg0 : i32
    %mul3A_1 = arith.constant 8192 : i32
    %mul3A_2 = arith.muli %add3A, %mul3A_1 : i32
    %dma_start3A = tpu.memref_slice %arg3[%mul3A_2] : memref<262144xi32, #tpu.memory_space<hbm>> -> memref<8192xi32, #tpu.memory_space<hbm>>
    %dma_start3A_3 = tpu.memref_slice %arg3[%mul3A_2] : memref<262144xi32, #tpu.memory_space<hbm>> -> memref<8192xi32, #tpu.memory_space<hbm>>
    tpu.enqueue_dma source(%dma_start3A_3 : memref<8192xi32, #tpu.memory_space<hbm>>) target(%arg8 : memref<8192xi32, #tpu.memory_space<vmem>>) target_semaphore(%arg18 : memref<!tpu.dma_semaphore, #tpu.memory_space<semaphore_mem>>)
    %dma_start3A_4 = tpu.memref_slice %arg4[%mul3A_2] : memref<262144xi32, #tpu.memory_space<hbm>> -> memref<8192xi32, #tpu.memory_space<hbm>>
    %dma_start3A_5 = tpu.memref_slice %arg4[%mul3A_2] : memref<262144xi32, #tpu.memory_space<hbm>> -> memref<8192xi32, #tpu.memory_space<hbm>>
    tpu.enqueue_dma source(%dma_start3A_5 : memref<8192xi32, #tpu.memory_space<hbm>>) target(%arg9 : memref<8192xi32, #tpu.memory_space<vmem>>) target_semaphore(%arg18 : memref<!tpu.dma_semaphore, #tpu.memory_space<semaphore_mem>>)
    %dma_start3A_6 = tpu.memref_slice %arg5[%mul3A_2] : memref<262144xf32, #tpu.memory_space<hbm>> -> memref<8192xf32, #tpu.memory_space<hbm>>
    %dma_start3A_7 = tpu.memref_slice %arg5[%mul3A_2] : memref<262144xf32, #tpu.memory_space<hbm>> -> memref<8192xf32, #tpu.memory_space<hbm>>
    tpu.enqueue_dma source(%dma_start3A_7 : memref<8192xf32, #tpu.memory_space<hbm>>) target(%arg10 : memref<8192xf32, #tpu.memory_space<vmem>>) target_semaphore(%arg18 : memref<!tpu.dma_semaphore, #tpu.memory_space<semaphore_mem>>)
    %broadcast_in_dim3A = arith.constant 0.000000e+00 : f32
    %broadcast_in_dim3A_8 = vector.broadcast %broadcast_in_dim3A : f32 to vector<16xf32>
    %swap3A = arith.constant 0 : index
    %swap3A_9 = tpu.vector_load %arg16[%swap3A] {strides = array<i32>} : memref<256xf32, #tpu.memory_space<vmem>>, vector<16xf32>,
    %swap3A_10 = vector.shape_cast %swap3A_9 : vector<16xf32> to vector<16xf32>
    %swap3A_11 = vector.shape_cast %broadcast_in_dim3A_8 : vector<16xf32> to vector<16xf32>
    tpu.vector_store %arg16[%swap3A], %swap3A_11 {strides = array<i32>} : memref<256xf32, #tpu.memory_space<vmem>>, vector<16xf32>,
    %broadcast_in_dim3A_12 = arith.constant 0.000000e+00 : f32
    %broadcast_in_dim3A_13 = vector.broadcast %broadcast_in_dim3A_12 : f32 to vector<16xf32>
    %swap3A_14 = arith.constant 16 : index
    %swap3A_15 = tpu.vector_load %arg16[%swap3A_14] {strides = array<i32>} : memref<256xf32, #tpu.memory_space<vmem>>, vector<16xf32>,
    %swap3A_16 = vector.shape_cast %swap3A_15 : vector<16xf32> to vector<16xf32>
    %swap3A_17 = vector.shape_cast %broadcast_in_dim3A_13 : vector<16xf32> to vector<16xf32>
    tpu.vector_store %arg16[%swap3A_14], %swap3A_17 {strides = array<i32>} : memref<256xf32, #tpu.memory_space<vmem>>, vector<16xf32>,
    %broadcast_in_dim3A_18 = arith.constant 0.000000e+00 : f32
    %broadcast_in_dim3A_19 = vector.broadcast %broadcast_in_dim3A_18 : f32 to vector<16xf32>
    %swap3A_20 = arith.constant 32 : index
    %swap3A_21 = tpu.vector_load %arg16[%swap3A_20] {strides = array<i32>} : memref<256xf32, #tpu.memory_space<vmem>>, vector<16xf32>,
    %swap3A_22 = vector.shape_cast %swap3A_21 : vector<16xf32> to vector<16xf32>
    %swap3A_23 = vector.shape_cast %broadcast_in_dim3A_19 : vector<16xf32> to vector<16xf32>
    tpu.vector_store %arg16[%swap3A_20], %swap3A_23 {strides = array<i32>} : memref<256xf32, #tpu.memory_space<vmem>>, vector<16xf32>,
    %broadcast_in_dim3A_24 = arith.constant 0.000000e+00 : f32
    %broadcast_in_dim3A_25 = vector.broadcast %broadcast_in_dim3A_24 : f32 to vector<16xf32>
    %swap3A_26 = arith.constant 48 : index
    %swap3A_27 = tpu.vector_load %arg16[%swap3A_26] {strides = array<i32>} : memref<256xf32, #tpu.memory_space<vmem>>, vector<16xf32>,
    %swap3A_28 = vector.shape_cast %swap3A_27 : vector<16xf32> to vector<16xf32>
    %swap3A_29 = vector.shape_cast %broadcast_in_dim3A_25 : vector<16xf32> to vector<16xf32>
    tpu.vector_store %arg16[%swap3A_26], %swap3A_29 {strides = array<i32>} : memref<256xf32, #tpu.memory_space<vmem>>, vector<16xf32>,
    %broadcast_in_dim3A_30 = arith.constant 0.000000e+00 : f32
    %broadcast_in_dim3A_31 = vector.broadcast %broadcast_in_dim3A_30 : f32 to vector<16xf32>
    %swap3A_32 = arith.constant 64 : index
    %swap3A_33 = tpu.vector_load %arg16[%swap3A_32] {strides = array<i32>} : memref<256xf32, #tpu.memory_space<vmem>>, vector<16xf32>,
    %swap3A_34 = vector.shape_cast %swap3A_33 : vector<16xf32> to vector<16xf32>
    %swap3A_35 = vector.shape_cast %broadcast_in_dim3A_31 : vector<16xf32> to vector<16xf32>
    tpu.vector_store %arg16[%swap3A_32], %swap3A_35 {strides = array<i32>} : memref<256xf32, #tpu.memory_space<vmem>>, vector<16xf32>,
    %broadcast_in_dim3A_36 = arith.constant 0.000000e+00 : f32
    %broadcast_in_dim3A_37 = vector.broadcast %broadcast_in_dim3A_36 : f32 to vector<16xf32>
    %swap3A_38 = arith.constant 80 : index
    %swap3A_39 = tpu.vector_load %arg16[%swap3A_38] {strides = array<i32>} : memref<256xf32, #tpu.memory_space<vmem>>, vector<16xf32>,
    %swap3A_40 = vector.shape_cast %swap3A_39 : vector<16xf32> to vector<16xf32>
    %swap3A_41 = vector.shape_cast %broadcast_in_dim3A_37 : vector<16xf32> to vector<16xf32>
    tpu.vector_store %arg16[%swap3A_38], %swap3A_41 {strides = array<i32>} : memref<256xf32, #tpu.memory_space<vmem>>, vector<16xf32>,
    %broadcast_in_dim3A_42 = arith.constant 0.000000e+00 : f32
    %broadcast_in_dim3A_43 = vector.broadcast %broadcast_in_dim3A_42 : f32 to vector<16xf32>
    %swap3A_44 = arith.constant 96 : index
    %swap3A_45 = tpu.vector_load %arg16[%swap3A_44] {strides = array<i32>} : memref<256xf32, #tpu.memory_space<vmem>>, vector<16xf32>,
    %swap3A_46 = vector.shape_cast %swap3A_45 : vector<16xf32> to vector<16xf32>
    %swap3A_47 = vector.shape_cast %broadcast_in_dim3A_43 : vector<16xf32> to vector<16xf32>
    tpu.vector_store %arg16[%swap3A_44], %swap3A_47 {strides = array<i32>} : memref<256xf32, #tpu.memory_space<vmem>>, vector<16xf32>,
    %broadcast_in_dim3A_48 = arith.constant 0.000000e+00 : f32
    %broadcast_in_dim3A_49 = vector.broadcast %broadcast_in_dim3A_48 : f32 to vector<16xf32>
    %swap3A_50 = arith.constant 112 : index
    %swap3A_51 = tpu.vector_load %arg16[%swap3A_50] {strides = array<i32>} : memref<256xf32, #tpu.memory_space<vmem>>, vector<16xf32>,
    %swap3A_52 = vector.shape_cast %swap3A_51 : vector<16xf32> to vector<16xf32>
    %swap3A_53 = vector.shape_cast %broadcast_in_dim3A_49 : vector<16xf32> to vector<16xf32>
    tpu.vector_store %arg16[%swap3A_50], %swap3A_53 {strides = array<i32>} : memref<256xf32, #tpu.memory_space<vmem>>, vector<16xf32>,
    %broadcast_in_dim3A_54 = arith.constant 0.000000e+00 : f32
    %broadcast_in_dim3A_55 = vector.broadcast %broadcast_in_dim3A_54 : f32 to vector<16xf32>
    %swap3A_56 = arith.constant 128 : index
    %swap3A_57 = tpu.vector_load %arg16[%swap3A_56] {strides = array<i32>} : memref<256xf32, #tpu.memory_space<vmem>>, vector<16xf32>,
    %swap3A_58 = vector.shape_cast %swap3A_57 : vector<16xf32> to vector<16xf32>
    %swap3A_59 = vector.shape_cast %broadcast_in_dim3A_55 : vector<16xf32> to vector<16xf32>
    tpu.vector_store %arg16[%swap3A_56], %swap3A_59 {strides = array<i32>} : memref<256xf32, #tpu.memory_space<vmem>>, vector<16xf32>,
    %broadcast_in_dim3A_60 = arith.constant 0.000000e+00 : f32
    %broadcast_in_dim3A_61 = vector.broadcast %broadcast_in_dim3A_60 : f32 to vector<16xf32>
    %swap3A_62 = arith.constant 144 : index
    %swap3A_63 = tpu.vector_load %arg16[%swap3A_62] {strides = array<i32>} : memref<256xf32, #tpu.memory_space<vmem>>, vector<16xf32>,
    %swap3A_64 = vector.shape_cast %swap3A_63 : vector<16xf32> to vector<16xf32>
    %swap3A_65 = vector.shape_cast %broadcast_in_dim3A_61 : vector<16xf32> to vector<16xf32>
    tpu.vector_store %arg16[%swap3A_62], %swap3A_65 {strides = array<i32>} : memref<256xf32, #tpu.memory_space<vmem>>, vector<16xf32>,
    %broadcast_in_dim3A_66 = arith.constant 0.000000e+00 : f32
    %broadcast_in_dim3A_67 = vector.broadcast %broadcast_in_dim3A_66 : f32 to vector<16xf32>
    %swap3A_68 = arith.constant 160 : index
    %swap3A_69 = tpu.vector_load %arg16[%swap3A_68] {strides = array<i32>} : memref<256xf32, #tpu.memory_space<vmem>>, vector<16xf32>,
    %swap3A_70 = vector.shape_cast %swap3A_69 : vector<16xf32> to vector<16xf32>
    %swap3A_71 = vector.shape_cast %broadcast_in_dim3A_67 : vector<16xf32> to vector<16xf32>
    tpu.vector_store %arg16[%swap3A_68], %swap3A_71 {strides = array<i32>} : memref<256xf32, #tpu.memory_space<vmem>>, vector<16xf32>,
    %broadcast_in_dim3A_72 = arith.constant 0.000000e+00 : f32
    %broadcast_in_dim3A_73 = vector.broadcast %broadcast_in_dim3A_72 : f32 to vector<16xf32>
    %swap3A_74 = arith.constant 176 : index
    %swap3A_75 = tpu.vector_load %arg16[%swap3A_74] {strides = array<i32>} : memref<256xf32, #tpu.memory_space<vmem>>, vector<16xf32>,
    %swap3A_76 = vector.shape_cast %swap3A_75 : vector<16xf32> to vector<16xf32>
    %swap3A_77 = vector.shape_cast %broadcast_in_dim3A_73 : vector<16xf32> to vector<16xf32>
    tpu.vector_store %arg16[%swap3A_74], %swap3A_77 {strides = array<i32>} : memref<256xf32, #tpu.memory_space<vmem>>, vector<16xf32>,
    %broadcast_in_dim3A_78 = arith.constant 0.000000e+00 : f32
    %broadcast_in_dim3A_79 = vector.broadcast %broadcast_in_dim3A_78 : f32 to vector<16xf32>
    %swap3A_80 = arith.constant 192 : index
    %swap3A_81 = tpu.vector_load %arg16[%swap3A_80] {strides = array<i32>} : memref<256xf32, #tpu.memory_space<vmem>>, vector<16xf32>,
    %swap3A_82 = vector.shape_cast %swap3A_81 : vector<16xf32> to vector<16xf32>
    %swap3A_83 = vector.shape_cast %broadcast_in_dim3A_79 : vector<16xf32> to vector<16xf32>
    tpu.vector_store %arg16[%swap3A_80], %swap3A_83 {strides = array<i32>} : memref<256xf32, #tpu.memory_space<vmem>>, vector<16xf32>,
    %broadcast_in_dim3A_84 = arith.constant 0.000000e+00 : f32
    %broadcast_in_dim3A_85 = vector.broadcast %broadcast_in_dim3A_84 : f32 to vector<16xf32>
    %swap3A_86 = arith.constant 208 : index
    %swap3A_87 = tpu.vector_load %arg16[%swap3A_86] {strides = array<i32>} : memref<256xf32, #tpu.memory_space<vmem>>, vector<16xf32>,
    %swap3A_88 = vector.shape_cast %swap3A_87 : vector<16xf32> to vector<16xf32>
    %swap3A_89 = vector.shape_cast %broadcast_in_dim3A_85 : vector<16xf32> to vector<16xf32>
    tpu.vector_store %arg16[%swap3A_86], %swap3A_89 {strides = array<i32>} : memref<256xf32, #tpu.memory_space<vmem>>, vector<16xf32>,
    %broadcast_in_dim3A_90 = arith.constant 0.000000e+00 : f32
    %broadcast_in_dim3A_91 = vector.broadcast %broadcast_in_dim3A_90 : f32 to vector<16xf32>
    %swap3A_92 = arith.constant 224 : index
    %swap3A_93 = tpu.vector_load %arg16[%swap3A_92] {strides = array<i32>} : memref<256xf32, #tpu.memory_space<vmem>>, vector<16xf32>,
    %swap3A_94 = vector.shape_cast %swap3A_93 : vector<16xf32> to vector<16xf32>
    %swap3A_95 = vector.shape_cast %broadcast_in_dim3A_91 : vector<16xf32> to vector<16xf32>
    tpu.vector_store %arg16[%swap3A_92], %swap3A_95 {strides = array<i32>} : memref<256xf32, #tpu.memory_space<vmem>>, vector<16xf32>,
    %broadcast_in_dim3A_96 = arith.constant 0.000000e+00 : f32
    %broadcast_in_dim3A_97 = vector.broadcast %broadcast_in_dim3A_96 : f32 to vector<16xf32>
    %swap3A_98 = arith.constant 240 : index
    %swap3A_99 = tpu.vector_load %arg16[%swap3A_98] {strides = array<i32>} : memref<256xf32, #tpu.memory_space<vmem>>, vector<16xf32>,
    %swap3A_100 = vector.shape_cast %swap3A_99 : vector<16xf32> to vector<16xf32>
    %swap3A_101 = vector.shape_cast %broadcast_in_dim3A_97 : vector<16xf32> to vector<16xf32>
    tpu.vector_store %arg16[%swap3A_98], %swap3A_101 {strides = array<i32>} : memref<256xf32, #tpu.memory_space<vmem>>, vector<16xf32>,
    %dma_wait3A = tpu.memref_slice %arg3[%mul3A_2] : memref<262144xi32, #tpu.memory_space<hbm>> -> memref<8192xi32, #tpu.memory_space<hbm>>
    %dma_wait3A_102 = tpu.memref_slice %arg3[%mul3A_2] : memref<262144xi32, #tpu.memory_space<hbm>> -> memref<8192xi32, #tpu.memory_space<hbm>>
    tpu.wait_dma2 semaphore(%arg18 : memref<!tpu.dma_semaphore, #tpu.memory_space<semaphore_mem>>) src(%dma_wait3A_102 : memref<8192xi32, #tpu.memory_space<hbm>>) dst(%arg8 : memref<8192xi32, #tpu.memory_space<vmem>>)
    %dma_wait3A_103 = tpu.memref_slice %arg4[%mul3A_2] : memref<262144xi32, #tpu.memory_space<hbm>> -> memref<8192xi32, #tpu.memory_space<hbm>>
    %dma_wait3A_104 = tpu.memref_slice %arg4[%mul3A_2] : memref<262144xi32, #tpu.memory_space<hbm>> -> memref<8192xi32, #tpu.memory_space<hbm>>
    tpu.wait_dma2 semaphore(%arg18 : memref<!tpu.dma_semaphore, #tpu.memory_space<semaphore_mem>>) src(%dma_wait3A_104 : memref<8192xi32, #tpu.memory_space<hbm>>) dst(%arg9 : memref<8192xi32, #tpu.memory_space<vmem>>)
    %dma_wait3A_105 = tpu.memref_slice %arg5[%mul3A_2] : memref<262144xf32, #tpu.memory_space<hbm>> -> memref<8192xf32, #tpu.memory_space<hbm>>
    %dma_wait3A_106 = tpu.memref_slice %arg5[%mul3A_2] : memref<262144xf32, #tpu.memory_space<hbm>> -> memref<8192xf32, #tpu.memory_space<hbm>>
    tpu.wait_dma2 semaphore(%arg18 : memref<!tpu.dma_semaphore, #tpu.memory_space<semaphore_mem>>) src(%dma_wait3A_106 : memref<8192xf32, #tpu.memory_space<hbm>>) dst(%arg10 : memref<8192xf32, #tpu.memory_space<vmem>>)
    %mul3A_107 = arith.constant 256 : i32
    %mul3A_108 = arith.muli %arg1, %mul3A_107 : i32
    "tpu.region"() ({
      %run_scoped3A = tpu.sem_alloc : memref<!tpu.dma_semaphore, #tpu.memory_space<semaphore_mem>>
      %dma_start3A_261 = tpu.memref_slice %arg17[%mul3A_108] : memref<4096xf32, #tpu.memory_space<vmem_shared>> -> memref<256xf32, #tpu.memory_space<vmem_shared>>
      %dma_start3A_262 = tpu.memref_slice %arg17[%mul3A_108] : memref<4096xf32, #tpu.memory_space<vmem_shared>> -> memref<256xf32, #tpu.memory_space<vmem_shared>>
      tpu.enqueue_dma source(%arg16 : memref<256xf32, #tpu.memory_space<vmem>>) target(%dma_start3A_262 : memref<256xf32, #tpu.memory_space<vmem_shared>>) target_semaphore(%run_scoped3A : memref<!tpu.dma_semaphore, #tpu.memory_space<semaphore_mem>>)
      %dma_wait3A_263 = tpu.memref_slice %arg17[%mul3A_108] : memref<4096xf32, #tpu.memory_space<vmem_shared>> -> memref<256xf32, #tpu.memory_space<vmem_shared>>
      %dma_wait3A_264 = tpu.memref_slice %arg17[%mul3A_108] : memref<4096xf32, #tpu.memory_space<vmem_shared>> -> memref<256xf32, #tpu.memory_space<vmem_shared>>
      tpu.wait_dma2 semaphore(%run_scoped3A : memref<!tpu.dma_semaphore, #tpu.memory_space<semaphore_mem>>) src(%arg16 : memref<256xf32, #tpu.memory_space<vmem>>) dst(%dma_wait3A_264 : memref<256xf32, #tpu.memory_space<vmem_shared>>)
      tpu.yield
    }) : () -> ()
    %barrier3A = arith.constant 0 : index
    tpu.barrier barrier_id(%barrier3A)
    %scan3A = arith.constant 0 : i32
    %scan3A_109 = arith.constant 0 : i32
    %scan3A_110 = arith.constant 32 : i32
    %scan3A_111 = arith.addi %scan3A_109, %scan3A_110 : i32
    %scan3A_112 = arith.constant 1 : i32
    %scan3A_113 = scf.for %scan3A_261 = %scan3A_109 to %scan3A_111 step %scan3A_112 iter_args(%scan3A_262 = %scan3A) -> (i32)  : i32 {
      %mul3A_263 = arith.constant 128 : i32
      %mul3A_264 = arith.muli %scan3A_261, %mul3A_263 : i32
      %add3A_265 = arith.constant 0 : i32
      %add3A_266 = arith.addi %mul3A_264, %add3A_265 : i32
      %get3A = arith.index_cast %add3A_266 : i32 to index
      %get3A_267 = tpu.vector_load %arg8[%get3A] {strides = array<i32>} : memref<8192xi32, #tpu.memory_space<vmem>>, vector<16xi32>,
      %get3A_268 = vector.shape_cast %get3A_267 : vector<16xi32> to vector<16xi32>
      %get3A_269 = arith.index_cast %add3A_266 : i32 to index
      %get3A_270 = tpu.vector_load %arg9[%get3A_269] {strides = array<i32>} : memref<8192xi32, #tpu.memory_space<vmem>>, vector<16xi32>,
      %get3A_271 = vector.shape_cast %get3A_270 : vector<16xi32> to vector<16xi32>
      %shift_right_arithmetic3A = arith.constant 3 : i32
      %shift_right_arithmetic3A_272 = vector.broadcast %shift_right_arithmetic3A : i32 to vector<16xi32>
      %shift_right_arithmetic3A_273 = arith.shrsi %get3A_268, %shift_right_arithmetic3A_272 : vector<16xi32>
      %shift_left3A = arith.constant 15 : i32
      %shift_left3A_274 = vector.broadcast %shift_left3A : i32 to vector<16xi32>
      %shift_left3A_275 = arith.shli %shift_right_arithmetic3A_273, %shift_left3A_274 : vector<16xi32>
      %shift_right_arithmetic3A_276 = arith.constant 7 : i32
      %shift_right_arithmetic3A_277 = vector.broadcast %shift_right_arithmetic3A_276 : i32 to vector<16xi32>
      %shift_right_arithmetic3A_278 = arith.shrsi %get3A_271, %shift_right_arithmetic3A_277 : vector<16xi32>
      %shift_left3A_279 = arith.constant 10 : i32
      %shift_left3A_280 = vector.broadcast %shift_left3A_279 : i32 to vector<16xi32>
      %shift_left3A_281 = arith.shli %shift_right_arithmetic3A_278, %shift_left3A_280 : vector<16xi32>
      %add3A_282 = arith.addi %shift_left3A_275, %shift_left3A_281 : vector<16xi32>
      %and3A = arith.constant 7 : i32
      %and3A_283 = vector.broadcast %and3A : i32 to vector<16xi32>
      %and3A_284 = arith.andi %get3A_268, %and3A_283 : vector<16xi32>
      %shift_left3A_285 = arith.constant 7 : i32
      %shift_left3A_286 = vector.broadcast %shift_left3A_285 : i32 to vector<16xi32>
      %shift_left3A_287 = arith.shli %and3A_284, %shift_left3A_286 : vector<16xi32>
      %add3A_288 = arith.addi %add3A_282, %shift_left3A_287 : vector<16xi32>
      %and3A_289 = arith.constant 127 : i32
      %and3A_290 = vector.broadcast %and3A_289 : i32 to vector<16xi32>
      %and3A_291 = arith.andi %get3A_271, %and3A_290 : vector<16xi32>
      %add3A_292 = arith.addi %add3A_288, %and3A_291 : vector<16xi32>
      %swap3A_293 = arith.index_cast %add3A_266 : i32 to index
      %swap3A_294 = tpu.vector_load %arg12[%swap3A_293] {strides = array<i32>} : memref<8192xi32, #tpu.memory_space<vmem>>, vector<16xi32>,
      %swap3A_295 = vector.shape_cast %swap3A_294 : vector<16xi32> to vector<16xi32>
      %swap3A_296 = vector.shape_cast %add3A_292 : vector<16xi32> to vector<16xi32>
      tpu.vector_store %arg12[%swap3A_293], %swap3A_296 {strides = array<i32>} : memref<8192xi32, #tpu.memory_space<vmem>>, vector<16xi32>,
      %swap3A_297 = arith.index_cast %scan3A_261 : i32 to index
      %swap3A_298 = arith.constant 0 : index
      %swap3A_299 = tpu.vector_load %arg11[%swap3A_297, %swap3A_298] {strides = array<i32>} : memref<64x128xi32, #tpu.memory_space<vmem>>, vector<1x16xi32>,
      %swap3A_300 = vector.shape_cast %swap3A_299 : vector<1x16xi32> to vector<16xi32>
      %swap3A_301 = vector.shape_cast %get3A_268 : vector<16xi32> to vector<1x16xi32>
      tpu.vector_store %arg11[%swap3A_297, %swap3A_298], %swap3A_301 {strides = array<i32>} : memref<64x128xi32, #tpu.memory_space<vmem>>, vector<1x16xi32>,
      %mul3A_302 = arith.constant 128 : i32
      %mul3A_303 = arith.muli %scan3A_261, %mul3A_302 : i32
      %add3A_304 = arith.constant 16 : i32
      %add3A_305 = arith.addi %mul3A_303, %add3A_304 : i32
      %get3A_306 = arith.index_cast %add3A_305 : i32 to index
      %get3A_307 = tpu.vector_load %arg8[%get3A_306] {strides = array<i32>} : memref<8192xi32, #tpu.memory_space<vmem>>, vector<16xi32>,
      %get3A_308 = vector.shape_cast %get3A_307 : vector<16xi32> to vector<16xi32>
      %get3A_309 = arith.index_cast %add3A_305 : i32 to index
      %get3A_310 = tpu.vector_load %arg9[%get3A_309] {strides = array<i32>} : memref<8192xi32, #tpu.memory_space<vmem>>, vector<16xi32>,
      %get3A_311 = vector.shape_cast %get3A_310 : vector<16xi32> to vector<16xi32>
      %shift_right_arithmetic3A_312 = arith.constant 3 : i32
      %shift_right_arithmetic3A_313 = vector.broadcast %shift_right_arithmetic3A_312 : i32 to vector<16xi32>
      %shift_right_arithmetic3A_314 = arith.shrsi %get3A_308, %shift_right_arithmetic3A_313 : vector<16xi32>
      %shift_left3A_315 = arith.constant 15 : i32
      %shift_left3A_316 = vector.broadcast %shift_left3A_315 : i32 to vector<16xi32>
      %shift_left3A_317 = arith.shli %shift_right_arithmetic3A_314, %shift_left3A_316 : vector<16xi32>
      %shift_right_arithmetic3A_318 = arith.constant 7 : i32
      %shift_right_arithmetic3A_319 = vector.broadcast %shift_right_arithmetic3A_318 : i32 to vector<16xi32>
      %shift_right_arithmetic3A_320 = arith.shrsi %get3A_311, %shift_right_arithmetic3A_319 : vector<16xi32>
      %shift_left3A_321 = arith.constant 10 : i32
      %shift_left3A_322 = vector.broadcast %shift_left3A_321 : i32 to vector<16xi32>
      %shift_left3A_323 = arith.shli %shift_right_arithmetic3A_320, %shift_left3A_322 : vector<16xi32>
      %add3A_324 = arith.addi %shift_left3A_317, %shift_left3A_323 : vector<16xi32>
      %and3A_325 = arith.constant 7 : i32
      %and3A_326 = vector.broadcast %and3A_325 : i32 to vector<16xi32>
      %and3A_327 = arith.andi %get3A_308, %and3A_326 : vector<16xi32>
      %shift_left3A_328 = arith.constant 7 : i32
      %shift_left3A_329 = vector.broadcast %shift_left3A_328 : i32 to vector<16xi32>
      %shift_left3A_330 = arith.shli %and3A_327, %shift_left3A_329 : vector<16xi32>
      %add3A_331 = arith.addi %add3A_324, %shift_left3A_330 : vector<16xi32>
      %and3A_332 = arith.constant 127 : i32
      %and3A_333 = vector.broadcast %and3A_332 : i32 to vector<16xi32>
      %and3A_334 = arith.andi %get3A_311, %and3A_333 : vector<16xi32>
      %add3A_335 = arith.addi %add3A_331, %and3A_334 : vector<16xi32>
      %swap3A_336 = arith.index_cast %add3A_305 : i32 to index
      %swap3A_337 = tpu.vector_load %arg12[%swap3A_336] {strides = array<i32>} : memref<8192xi32, #tpu.memory_space<vmem>>, vector<16xi32>,
      %swap3A_338 = vector.shape_cast %swap3A_337 : vector<16xi32> to vector<16xi32>
      %swap3A_339 = vector.shape_cast %add3A_335 : vector<16xi32> to vector<16xi32>
      tpu.vector_store %arg12[%swap3A_336], %swap3A_339 {strides = array<i32>} : memref<8192xi32, #tpu.memory_space<vmem>>, vector<16xi32>,
      %swap3A_340 = arith.index_cast %scan3A_261 : i32 to index
      %swap3A_341 = arith.constant 16 : index
      %swap3A_342 = tpu.vector_load %arg11[%swap3A_340, %swap3A_341] {strides = array<i32>} : memref<64x128xi32, #tpu.memory_space<vmem>>, vector<1x16xi32>,
      %swap3A_343 = vector.shape_cast %swap3A_342 : vector<1x16xi32> to vector<16xi32>
      %swap3A_344 = vector.shape_cast %get3A_308 : vector<16xi32> to vector<1x16xi32>
      tpu.vector_store %arg11[%swap3A_340, %swap3A_341], %swap3A_344 {strides = array<i32>} : memref<64x128xi32, #tpu.memory_space<vmem>>, vector<1x16xi32>,
      %mul3A_345 = arith.constant 128 : i32
      %mul3A_346 = arith.muli %scan3A_261, %mul3A_345 : i32
      %add3A_347 = arith.constant 32 : i32
      %add3A_348 = arith.addi %mul3A_346, %add3A_347 : i32
      %get3A_349 = arith.index_cast %add3A_348 : i32 to index
      %get3A_350 = tpu.vector_load %arg8[%get3A_349] {strides = array<i32>} : memref<8192xi32, #tpu.memory_space<vmem>>, vector<16xi32>,
      %get3A_351 = vector.shape_cast %get3A_350 : vector<16xi32> to vector<16xi32>
      %get3A_352 = arith.index_cast %add3A_348 : i32 to index
      %get3A_353 = tpu.vector_load %arg9[%get3A_352] {strides = array<i32>} : memref<8192xi32, #tpu.memory_space<vmem>>, vector<16xi32>,
      %get3A_354 = vector.shape_cast %get3A_353 : vector<16xi32> to vector<16xi32>
      %shift_right_arithmetic3A_355 = arith.constant 3 : i32
      %shift_right_arithmetic3A_356 = vector.broadcast %shift_right_arithmetic3A_355 : i32 to vector<16xi32>
      %shift_right_arithmetic3A_357 = arith.shrsi %get3A_351, %shift_right_arithmetic3A_356 : vector<16xi32>
      %shift_left3A_358 = arith.constant 15 : i32
      %shift_left3A_359 = vector.broadcast %shift_left3A_358 : i32 to vector<16xi32>
      %shift_left3A_360 = arith.shli %shift_right_arithmetic3A_357, %shift_left3A_359 : vector<16xi32>
      %shift_right_arithmetic3A_361 = arith.constant 7 : i32
      %shift_right_arithmetic3A_362 = vector.broadcast %shift_right_arithmetic3A_361 : i32 to vector<16xi32>
      %shift_right_arithmetic3A_363 = arith.shrsi %get3A_354, %shift_right_arithmetic3A_362 : vector<16xi32>
      %shift_left3A_364 = arith.constant 10 : i32
      %shift_left3A_365 = vector.broadcast %shift_left3A_364 : i32 to vector<16xi32>
      %shift_left3A_366 = arith.shli %shift_right_arithmetic3A_363, %shift_left3A_365 : vector<16xi32>
      %add3A_367 = arith.addi %shift_left3A_360, %shift_left3A_366 : vector<16xi32>
      %and3A_368 = arith.constant 7 : i32
      %and3A_369 = vector.broadcast %and3A_368 : i32 to vector<16xi32>
      %and3A_370 = arith.andi %get3A_351, %and3A_369 : vector<16xi32>
      %shift_left3A_371 = arith.constant 7 : i32
      %shift_left3A_372 = vector.broadcast %shift_left3A_371 : i32 to vector<16xi32>
      %shift_left3A_373 = arith.shli %and3A_370, %shift_left3A_372 : vector<16xi32>
      %add3A_374 = arith.addi %add3A_367, %shift_left3A_373 : vector<16xi32>
      %and3A_375 = arith.constant 127 : i32
      %and3A_376 = vector.broadcast %and3A_375 : i32 to vector<16xi32>
      %and3A_377 = arith.andi %get3A_354, %and3A_376 : vector<16xi32>
      %add3A_378 = arith.addi %add3A_374, %and3A_377 : vector<16xi32>
      %swap3A_379 = arith.index_cast %add3A_348 : i32 to index
      %swap3A_380 = tpu.vector_load %arg12[%swap3A_379] {strides = array<i32>} : memref<8192xi32, #tpu.memory_space<vmem>>, vector<16xi32>,
      %swap3A_381 = vector.shape_cast %swap3A_380 : vector<16xi32> to vector<16xi32>
      %swap3A_382 = vector.shape_cast %add3A_378 : vector<16xi32> to vector<16xi32>
      tpu.vector_store %arg12[%swap3A_379], %swap3A_382 {strides = array<i32>} : memref<8192xi32, #tpu.memory_space<vmem>>, vector<16xi32>,
      %swap3A_383 = arith.index_cast %scan3A_261 : i32 to index
      %swap3A_384 = arith.constant 32 : index
      %swap3A_385 = tpu.vector_load %arg11[%swap3A_383, %swap3A_384] {strides = array<i32>} : memref<64x128xi32, #tpu.memory_space<vmem>>, vector<1x16xi32>,
      %swap3A_386 = vector.shape_cast %swap3A_385 : vector<1x16xi32> to vector<16xi32>
      %swap3A_387 = vector.shape_cast %get3A_351 : vector<16xi32> to vector<1x16xi32>
      tpu.vector_store %arg11[%swap3A_383, %swap3A_384], %swap3A_387 {strides = array<i32>} : memref<64x128xi32, #tpu.memory_space<vmem>>, vector<1x16xi32>,
      %mul3A_388 = arith.constant 128 : i32
      %mul3A_389 = arith.muli %scan3A_261, %mul3A_388 : i32
      %add3A_390 = arith.constant 48 : i32
      %add3A_391 = arith.addi %mul3A_389, %add3A_390 : i32
      %get3A_392 = arith.index_cast %add3A_391 : i32 to index
      %get3A_393 = tpu.vector_load %arg8[%get3A_392] {strides = array<i32>} : memref<8192xi32, #tpu.memory_space<vmem>>, vector<16xi32>,
      %get3A_394 = vector.shape_cast %get3A_393 : vector<16xi32> to vector<16xi32>
      %get3A_395 = arith.index_cast %add3A_391 : i32 to index
      %get3A_396 = tpu.vector_load %arg9[%get3A_395] {strides = array<i32>} : memref<8192xi32, #tpu.memory_space<vmem>>, vector<16xi32>,
      %get3A_397 = vector.shape_cast %get3A_396 : vector<16xi32> to vector<16xi32>
      %shift_right_arithmetic3A_398 = arith.constant 3 : i32
      %shift_right_arithmetic3A_399 = vector.broadcast %shift_right_arithmetic3A_398 : i32 to vector<16xi32>
      %shift_right_arithmetic3A_400 = arith.shrsi %get3A_394, %shift_right_arithmetic3A_399 : vector<16xi32>
      %shift_left3A_401 = arith.constant 15 : i32
      %shift_left3A_402 = vector.broadcast %shift_left3A_401 : i32 to vector<16xi32>
      %shift_left3A_403 = arith.shli %shift_right_arithmetic3A_400, %shift_left3A_402 : vector<16xi32>
      %shift_right_arithmetic3A_404 = arith.constant 7 : i32
      %shift_right_arithmetic3A_405 = vector.broadcast %shift_right_arithmetic3A_404 : i32 to vector<16xi32>
      %shift_right_arithmetic3A_406 = arith.shrsi %get3A_397, %shift_right_arithmetic3A_405 : vector<16xi32>
      %shift_left3A_407 = arith.constant 10 : i32
      %shift_left3A_408 = vector.broadcast %shift_left3A_407 : i32 to vector<16xi32>
      %shift_left3A_409 = arith.shli %shift_right_arithmetic3A_406, %shift_left3A_408 : vector<16xi32>
      %add3A_410 = arith.addi %shift_left3A_403, %shift_left3A_409 : vector<16xi32>
      %and3A_411 = arith.constant 7 : i32
      %and3A_412 = vector.broadcast %and3A_411 : i32 to vector<16xi32>
      %and3A_413 = arith.andi %get3A_394, %and3A_412 : vector<16xi32>
      %shift_left3A_414 = arith.constant 7 : i32
      %shift_left3A_415 = vector.broadcast %shift_left3A_414 : i32 to vector<16xi32>
      %shift_left3A_416 = arith.shli %and3A_413, %shift_left3A_415 : vector<16xi32>
      %add3A_417 = arith.addi %add3A_410, %shift_left3A_416 : vector<16xi32>
      %and3A_418 = arith.constant 127 : i32
      %and3A_419 = vector.broadcast %and3A_418 : i32 to vector<16xi32>
      %and3A_420 = arith.andi %get3A_397, %and3A_419 : vector<16xi32>
      %add3A_421 = arith.addi %add3A_417, %and3A_420 : vector<16xi32>
      %swap3A_422 = arith.index_cast %add3A_391 : i32 to index
      %swap3A_423 = tpu.vector_load %arg12[%swap3A_422] {strides = array<i32>} : memref<8192xi32, #tpu.memory_space<vmem>>, vector<16xi32>,
      %swap3A_424 = vector.shape_cast %swap3A_423 : vector<16xi32> to vector<16xi32>
      %swap3A_425 = vector.shape_cast %add3A_421 : vector<16xi32> to vector<16xi32>
      tpu.vector_store %arg12[%swap3A_422], %swap3A_425 {strides = array<i32>} : memref<8192xi32, #tpu.memory_space<vmem>>, vector<16xi32>,
      %swap3A_426 = arith.index_cast %scan3A_261 : i32 to index
      %swap3A_427 = arith.constant 48 : index
      %swap3A_428 = tpu.vector_load %arg11[%swap3A_426, %swap3A_427] {strides = array<i32>} : memref<64x128xi32, #tpu.memory_space<vmem>>, vector<1x16xi32>,
      %swap3A_429 = vector.shape_cast %swap3A_428 : vector<1x16xi32> to vector<16xi32>
      %swap3A_430 = vector.shape_cast %get3A_394 : vector<16xi32> to vector<1x16xi32>
      tpu.vector_store %arg11[%swap3A_426, %swap3A_427], %swap3A_430 {strides = array<i32>} : memref<64x128xi32, #tpu.memory_space<vmem>>, vector<1x16xi32>,
      %mul3A_431 = arith.constant 128 : i32
      %mul3A_432 = arith.muli %scan3A_261, %mul3A_431 : i32
      %add3A_433 = arith.constant 64 : i32
      %add3A_434 = arith.addi %mul3A_432, %add3A_433 : i32
      %get3A_435 = arith.index_cast %add3A_434 : i32 to index
      %get3A_436 = tpu.vector_load %arg8[%get3A_435] {strides = array<i32>} : memref<8192xi32, #tpu.memory_space<vmem>>, vector<16xi32>,
      %get3A_437 = vector.shape_cast %get3A_436 : vector<16xi32> to vector<16xi32>
      %get3A_438 = arith.index_cast %add3A_434 : i32 to index
      %get3A_439 = tpu.vector_load %arg9[%get3A_438] {strides = array<i32>} : memref<8192xi32, #tpu.memory_space<vmem>>, vector<16xi32>,
      %get3A_440 = vector.shape_cast %get3A_439 : vector<16xi32> to vector<16xi32>
      %shift_right_arithmetic3A_441 = arith.constant 3 : i32
      %shift_right_arithmetic3A_442 = vector.broadcast %shift_right_arithmetic3A_441 : i32 to vector<16xi32>
      %shift_right_arithmetic3A_443 = arith.shrsi %get3A_437, %shift_right_arithmetic3A_442 : vector<16xi32>
      %shift_left3A_444 = arith.constant 15 : i32
      %shift_left3A_445 = vector.broadcast %shift_left3A_444 : i32 to vector<16xi32>
      %shift_left3A_446 = arith.shli %shift_right_arithmetic3A_443, %shift_left3A_445 : vector<16xi32>
      %shift_right_arithmetic3A_447 = arith.constant 7 : i32
      %shift_right_arithmetic3A_448 = vector.broadcast %shift_right_arithmetic3A_447 : i32 to vector<16xi32>
      %shift_right_arithmetic3A_449 = arith.shrsi %get3A_440, %shift_right_arithmetic3A_448 : vector<16xi32>
      %shift_left3A_450 = arith.constant 10 : i32
      %shift_left3A_451 = vector.broadcast %shift_left3A_450 : i32 to vector<16xi32>
      %shift_left3A_452 = arith.shli %shift_right_arithmetic3A_449, %shift_left3A_451 : vector<16xi32>
      %add3A_453 = arith.addi %shift_left3A_446, %shift_left3A_452 : vector<16xi32>
      %and3A_454 = arith.constant 7 : i32
      %and3A_455 = vector.broadcast %and3A_454 : i32 to vector<16xi32>
      %and3A_456 = arith.andi %get3A_437, %and3A_455 : vector<16xi32>
      %shift_left3A_457 = arith.constant 7 : i32
      %shift_left3A_458 = vector.broadcast %shift_left3A_457 : i32 to vector<16xi32>
      %shift_left3A_459 = arith.shli %and3A_456, %shift_left3A_458 : vector<16xi32>
      %add3A_460 = arith.addi %add3A_453, %shift_left3A_459 : vector<16xi32>
      %and3A_461 = arith.constant 127 : i32
      %and3A_462 = vector.broadcast %and3A_461 : i32 to vector<16xi32>
      %and3A_463 = arith.andi %get3A_440, %and3A_462 : vector<16xi32>
      %add3A_464 = arith.addi %add3A_460, %and3A_463 : vector<16xi32>
      %swap3A_465 = arith.index_cast %add3A_434 : i32 to index
      %swap3A_466 = tpu.vector_load %arg12[%swap3A_465] {strides = array<i32>} : memref<8192xi32, #tpu.memory_space<vmem>>, vector<16xi32>,
      %swap3A_467 = vector.shape_cast %swap3A_466 : vector<16xi32> to vector<16xi32>
      %swap3A_468 = vector.shape_cast %add3A_464 : vector<16xi32> to vector<16xi32>
      tpu.vector_store %arg12[%swap3A_465], %swap3A_468 {strides = array<i32>} : memref<8192xi32, #tpu.memory_space<vmem>>, vector<16xi32>,
      %swap3A_469 = arith.index_cast %scan3A_261 : i32 to index
      %swap3A_470 = arith.constant 64 : index
      %swap3A_471 = tpu.vector_load %arg11[%swap3A_469, %swap3A_470] {strides = array<i32>} : memref<64x128xi32, #tpu.memory_space<vmem>>, vector<1x16xi32>,
      %swap3A_472 = vector.shape_cast %swap3A_471 : vector<1x16xi32> to vector<16xi32>
      %swap3A_473 = vector.shape_cast %get3A_437 : vector<16xi32> to vector<1x16xi32>
      tpu.vector_store %arg11[%swap3A_469, %swap3A_470], %swap3A_473 {strides = array<i32>} : memref<64x128xi32, #tpu.memory_space<vmem>>, vector<1x16xi32>,
      %mul3A_474 = arith.constant 128 : i32
      %mul3A_475 = arith.muli %scan3A_261, %mul3A_474 : i32
      %add3A_476 = arith.constant 80 : i32
      %add3A_477 = arith.addi %mul3A_475, %add3A_476 : i32
      %get3A_478 = arith.index_cast %add3A_477 : i32 to index
      %get3A_479 = tpu.vector_load %arg8[%get3A_478] {strides = array<i32>} : memref<8192xi32, #tpu.memory_space<vmem>>, vector<16xi32>,
      %get3A_480 = vector.shape_cast %get3A_479 : vector<16xi32> to vector<16xi32>
      %get3A_481 = arith.index_cast %add3A_477 : i32 to index
      %get3A_482 = tpu.vector_load %arg9[%get3A_481] {strides = array<i32>} : memref<8192xi32, #tpu.memory_space<vmem>>, vector<16xi32>,
      %get3A_483 = vector.shape_cast %get3A_482 : vector<16xi32> to vector<16xi32>
      %shift_right_arithmetic3A_484 = arith.constant 3 : i32
      %shift_right_arithmetic3A_485 = vector.broadcast %shift_right_arithmetic3A_484 : i32 to vector<16xi32>
      %shift_right_arithmetic3A_486 = arith.shrsi %get3A_480, %shift_right_arithmetic3A_485 : vector<16xi32>
      %shift_left3A_487 = arith.constant 15 : i32
      %shift_left3A_488 = vector.broadcast %shift_left3A_487 : i32 to vector<16xi32>
      %shift_left3A_489 = arith.shli %shift_right_arithmetic3A_486, %shift_left3A_488 : vector<16xi32>
      %shift_right_arithmetic3A_490 = arith.constant 7 : i32
      %shift_right_arithmetic3A_491 = vector.broadcast %shift_right_arithmetic3A_490 : i32 to vector<16xi32>
      %shift_right_arithmetic3A_492 = arith.shrsi %get3A_483, %shift_right_arithmetic3A_491 : vector<16xi32>
      %shift_left3A_493 = arith.constant 10 : i32
      %shift_left3A_494 = vector.broadcast %shift_left3A_493 : i32 to vector<16xi32>
      %shift_left3A_495 = arith.shli %shift_right_arithmetic3A_492, %shift_left3A_494 : vector<16xi32>
      %add3A_496 = arith.addi %shift_left3A_489, %shift_left3A_495 : vector<16xi32>
      %and3A_497 = arith.constant 7 : i32
      %and3A_498 = vector.broadcast %and3A_497 : i32 to vector<16xi32>
      %and3A_499 = arith.andi %get3A_480, %and3A_498 : vector<16xi32>
      %shift_left3A_500 = arith.constant 7 : i32
      %shift_left3A_501 = vector.broadcast %shift_left3A_500 : i32 to vector<16xi32>
      %shift_left3A_502 = arith.shli %and3A_499, %shift_left3A_501 : vector<16xi32>
      %add3A_503 = arith.addi %add3A_496, %shift_left3A_502 : vector<16xi32>
      %and3A_504 = arith.constant 127 : i32
      %and3A_505 = vector.broadcast %and3A_504 : i32 to vector<16xi32>
      %and3A_506 = arith.andi %get3A_483, %and3A_505 : vector<16xi32>
      %add3A_507 = arith.addi %add3A_503, %and3A_506 : vector<16xi32>
      %swap3A_508 = arith.index_cast %add3A_477 : i32 to index
      %swap3A_509 = tpu.vector_load %arg12[%swap3A_508] {strides = array<i32>} : memref<8192xi32, #tpu.memory_space<vmem>>, vector<16xi32>,
      %swap3A_510 = vector.shape_cast %swap3A_509 : vector<16xi32> to vector<16xi32>
      %swap3A_511 = vector.shape_cast %add3A_507 : vector<16xi32> to vector<16xi32>
      tpu.vector_store %arg12[%swap3A_508], %swap3A_511 {strides = array<i32>} : memref<8192xi32, #tpu.memory_space<vmem>>, vector<16xi32>,
      %swap3A_512 = arith.index_cast %scan3A_261 : i32 to index
      %swap3A_513 = arith.constant 80 : index
      %swap3A_514 = tpu.vector_load %arg11[%swap3A_512, %swap3A_513] {strides = array<i32>} : memref<64x128xi32, #tpu.memory_space<vmem>>, vector<1x16xi32>,
      %swap3A_515 = vector.shape_cast %swap3A_514 : vector<1x16xi32> to vector<16xi32>
      %swap3A_516 = vector.shape_cast %get3A_480 : vector<16xi32> to vector<1x16xi32>
      tpu.vector_store %arg11[%swap3A_512, %swap3A_513], %swap3A_516 {strides = array<i32>} : memref<64x128xi32, #tpu.memory_space<vmem>>, vector<1x16xi32>,
      %mul3A_517 = arith.constant 128 : i32
      %mul3A_518 = arith.muli %scan3A_261, %mul3A_517 : i32
      %add3A_519 = arith.constant 96 : i32
      %add3A_520 = arith.addi %mul3A_518, %add3A_519 : i32
      %get3A_521 = arith.index_cast %add3A_520 : i32 to index
      %get3A_522 = tpu.vector_load %arg8[%get3A_521] {strides = array<i32>} : memref<8192xi32, #tpu.memory_space<vmem>>, vector<16xi32>,
      %get3A_523 = vector.shape_cast %get3A_522 : vector<16xi32> to vector<16xi32>
      %get3A_524 = arith.index_cast %add3A_520 : i32 to index
      %get3A_525 = tpu.vector_load %arg9[%get3A_524] {strides = array<i32>} : memref<8192xi32, #tpu.memory_space<vmem>>, vector<16xi32>,
      %get3A_526 = vector.shape_cast %get3A_525 : vector<16xi32> to vector<16xi32>
      %shift_right_arithmetic3A_527 = arith.constant 3 : i32
      %shift_right_arithmetic3A_528 = vector.broadcast %shift_right_arithmetic3A_527 : i32 to vector<16xi32>
      %shift_right_arithmetic3A_529 = arith.shrsi %get3A_523, %shift_right_arithmetic3A_528 : vector<16xi32>
      %shift_left3A_530 = arith.constant 15 : i32
      %shift_left3A_531 = vector.broadcast %shift_left3A_530 : i32 to vector<16xi32>
      %shift_left3A_532 = arith.shli %shift_right_arithmetic3A_529, %shift_left3A_531 : vector<16xi32>
      %shift_right_arithmetic3A_533 = arith.constant 7 : i32
      %shift_right_arithmetic3A_534 = vector.broadcast %shift_right_arithmetic3A_533 : i32 to vector<16xi32>
      %shift_right_arithmetic3A_535 = arith.shrsi %get3A_526, %shift_right_arithmetic3A_534 : vector<16xi32>
      %shift_left3A_536 = arith.constant 10 : i32
      %shift_left3A_537 = vector.broadcast %shift_left3A_536 : i32 to vector<16xi32>
      %shift_left3A_538 = arith.shli %shift_right_arithmetic3A_535, %shift_left3A_537 : vector<16xi32>
      %add3A_539 = arith.addi %shift_left3A_532, %shift_left3A_538 : vector<16xi32>
      %and3A_540 = arith.constant 7 : i32
      %and3A_541 = vector.broadcast %and3A_540 : i32 to vector<16xi32>
      %and3A_542 = arith.andi %get3A_523, %and3A_541 : vector<16xi32>
      %shift_left3A_543 = arith.constant 7 : i32
      %shift_left3A_544 = vector.broadcast %shift_left3A_543 : i32 to vector<16xi32>
      %shift_left3A_545 = arith.shli %and3A_542, %shift_left3A_544 : vector<16xi32>
      %add3A_546 = arith.addi %add3A_539, %shift_left3A_545 : vector<16xi32>
      %and3A_547 = arith.constant 127 : i32
      %and3A_548 = vector.broadcast %and3A_547 : i32 to vector<16xi32>
      %and3A_549 = arith.andi %get3A_526, %and3A_548 : vector<16xi32>
      %add3A_550 = arith.addi %add3A_546, %and3A_549 : vector<16xi32>
      %swap3A_551 = arith.index_cast %add3A_520 : i32 to index
      %swap3A_552 = tpu.vector_load %arg12[%swap3A_551] {strides = array<i32>} : memref<8192xi32, #tpu.memory_space<vmem>>, vector<16xi32>,
      %swap3A_553 = vector.shape_cast %swap3A_552 : vector<16xi32> to vector<16xi32>
      %swap3A_554 = vector.shape_cast %add3A_550 : vector<16xi32> to vector<16xi32>
      tpu.vector_store %arg12[%swap3A_551], %swap3A_554 {strides = array<i32>} : memref<8192xi32, #tpu.memory_space<vmem>>, vector<16xi32>,
      %swap3A_555 = arith.index_cast %scan3A_261 : i32 to index
      %swap3A_556 = arith.constant 96 : index
      %swap3A_557 = tpu.vector_load %arg11[%swap3A_555, %swap3A_556] {strides = array<i32>} : memref<64x128xi32, #tpu.memory_space<vmem>>, vector<1x16xi32>,
      %swap3A_558 = vector.shape_cast %swap3A_557 : vector<1x16xi32> to vector<16xi32>
      %swap3A_559 = vector.shape_cast %get3A_523 : vector<16xi32> to vector<1x16xi32>
      tpu.vector_store %arg11[%swap3A_555, %swap3A_556], %swap3A_559 {strides = array<i32>} : memref<64x128xi32, #tpu.memory_space<vmem>>, vector<1x16xi32>,
      %mul3A_560 = arith.constant 128 : i32
      %mul3A_561 = arith.muli %scan3A_261, %mul3A_560 : i32
      %add3A_562 = arith.constant 112 : i32
      %add3A_563 = arith.addi %mul3A_561, %add3A_562 : i32
      %get3A_564 = arith.index_cast %add3A_563 : i32 to index
      %get3A_565 = tpu.vector_load %arg8[%get3A_564] {strides = array<i32>} : memref<8192xi32, #tpu.memory_space<vmem>>, vector<16xi32>,
      %get3A_566 = vector.shape_cast %get3A_565 : vector<16xi32> to vector<16xi32>
      %get3A_567 = arith.index_cast %add3A_563 : i32 to index
      %get3A_568 = tpu.vector_load %arg9[%get3A_567] {strides = array<i32>} : memref<8192xi32, #tpu.memory_space<vmem>>, vector<16xi32>,
      %get3A_569 = vector.shape_cast %get3A_568 : vector<16xi32> to vector<16xi32>
      %shift_right_arithmetic3A_570 = arith.constant 3 : i32
      %shift_right_arithmetic3A_571 = vector.broadcast %shift_right_arithmetic3A_570 : i32 to vector<16xi32>
      %shift_right_arithmetic3A_572 = arith.shrsi %get3A_566, %shift_right_arithmetic3A_571 : vector<16xi32>
      %shift_left3A_573 = arith.constant 15 : i32
      %shift_left3A_574 = vector.broadcast %shift_left3A_573 : i32 to vector<16xi32>
      %shift_left3A_575 = arith.shli %shift_right_arithmetic3A_572, %shift_left3A_574 : vector<16xi32>
      %shift_right_arithmetic3A_576 = arith.constant 7 : i32
      %shift_right_arithmetic3A_577 = vector.broadcast %shift_right_arithmetic3A_576 : i32 to vector<16xi32>
      %shift_right_arithmetic3A_578 = arith.shrsi %get3A_569, %shift_right_arithmetic3A_577 : vector<16xi32>
      %shift_left3A_579 = arith.constant 10 : i32
      %shift_left3A_580 = vector.broadcast %shift_left3A_579 : i32 to vector<16xi32>
      %shift_left3A_581 = arith.shli %shift_right_arithmetic3A_578, %shift_left3A_580 : vector<16xi32>
      %add3A_582 = arith.addi %shift_left3A_575, %shift_left3A_581 : vector<16xi32>
      %and3A_583 = arith.constant 7 : i32
      %and3A_584 = vector.broadcast %and3A_583 : i32 to vector<16xi32>
      %and3A_585 = arith.andi %get3A_566, %and3A_584 : vector<16xi32>
      %shift_left3A_586 = arith.constant 7 : i32
      %shift_left3A_587 = vector.broadcast %shift_left3A_586 : i32 to vector<16xi32>
      %shift_left3A_588 = arith.shli %and3A_585, %shift_left3A_587 : vector<16xi32>
      %add3A_589 = arith.addi %add3A_582, %shift_left3A_588 : vector<16xi32>
      %and3A_590 = arith.constant 127 : i32
      %and3A_591 = vector.broadcast %and3A_590 : i32 to vector<16xi32>
      %and3A_592 = arith.andi %get3A_569, %and3A_591 : vector<16xi32>
      %add3A_593 = arith.addi %add3A_589, %and3A_592 : vector<16xi32>
      %swap3A_594 = arith.index_cast %add3A_563 : i32 to index
      %swap3A_595 = tpu.vector_load %arg12[%swap3A_594] {strides = array<i32>} : memref<8192xi32, #tpu.memory_space<vmem>>, vector<16xi32>,
      %swap3A_596 = vector.shape_cast %swap3A_595 : vector<16xi32> to vector<16xi32>
      %swap3A_597 = vector.shape_cast %add3A_593 : vector<16xi32> to vector<16xi32>
      tpu.vector_store %arg12[%swap3A_594], %swap3A_597 {strides = array<i32>} : memref<8192xi32, #tpu.memory_space<vmem>>, vector<16xi32>,
      %swap3A_598 = arith.index_cast %scan3A_261 : i32 to index
      %swap3A_599 = arith.constant 112 : index
      %swap3A_600 = tpu.vector_load %arg11[%swap3A_598, %swap3A_599] {strides = array<i32>} : memref<64x128xi32, #tpu.memory_space<vmem>>, vector<1x16xi32>,
      %swap3A_601 = vector.shape_cast %swap3A_600 : vector<1x16xi32> to vector<16xi32>
      %swap3A_602 = vector.shape_cast %get3A_566 : vector<16xi32> to vector<1x16xi32>
      tpu.vector_store %arg11[%swap3A_598, %swap3A_599], %swap3A_602 {strides = array<i32>} : memref<64x128xi32, #tpu.memory_space<vmem>>, vector<1x16xi32>,
      %scan3A_603 = arith.constant 0 : i32
      scf.yield %scan3A_603 : i32
    }
    %scan3A_114 = arith.constant 32 : i32
    %dma_start3A_115 = arith.constant 0 : i32
    %dma_start3A_116 = tpu.memref_slice %arg13[%dma_start3A_115] : memref<8192xf32, #tpu.memory_space<vmem>> -> memref<4096xf32, #tpu.memory_space<vmem>>
    %dma_start3A_117 = arith.constant 0 : i32
    %dma_start3A_118 = tpu.memref_slice %arg12[%dma_start3A_117] : memref<8192xi32, #tpu.memory_space<vmem>> -> memref<4096xi32, #tpu.memory_space<vmem>>
    %dma_start3A_119 = arith.constant 0 : i32
    %dma_start3A_120 = tpu.memref_slice %arg2[%dma_start3A_119] : memref<16777216xf32, #tpu.memory_space<hbm>> -> memref<16777216xf32, #tpu.memory_space<hbm>>
    tpu.enqueue_indirect_dma source(%dma_start3A_120 : memref<16777216xf32, #tpu.memory_space<hbm>>) target(%dma_start3A_116 : memref<4096xf32, #tpu.memory_space<vmem>>) offsets(%dma_start3A_118 : memref<4096xi32, #tpu.memory_space<vmem>>) semaphore(%arg20 : memref<!tpu.dma_semaphore, #tpu.memory_space<semaphore_mem>>)
    %scan3A_121 = arith.constant 0 : i32
    %scan3A_122 = arith.constant 32 : i32
    %scan3A_123 = arith.constant 32 : i32
    %scan3A_124 = arith.addi %scan3A_122, %scan3A_123 : i32
    %scan3A_125 = arith.constant 1 : i32
    %scan3A_126 = scf.for %scan3A_261 = %scan3A_122 to %scan3A_124 step %scan3A_125 iter_args(%scan3A_262 = %scan3A_121) -> (i32)  : i32 {
      %mul3A_263 = arith.constant 128 : i32
      %mul3A_264 = arith.muli %scan3A_261, %mul3A_263 : i32
      %add3A_265 = arith.constant 0 : i32
      %add3A_266 = arith.addi %mul3A_264, %add3A_265 : i32
      %get3A = arith.index_cast %add3A_266 : i32 to index
      %get3A_267 = tpu.vector_load %arg8[%get3A] {strides = array<i32>} : memref<8192xi32, #tpu.memory_space<vmem>>, vector<16xi32>,
      %get3A_268 = vector.shape_cast %get3A_267 : vector<16xi32> to vector<16xi32>
      %get3A_269 = arith.index_cast %add3A_266 : i32 to index
      %get3A_270 = tpu.vector_load %arg9[%get3A_269] {strides = array<i32>} : memref<8192xi32, #tpu.memory_space<vmem>>, vector<16xi32>,
      %get3A_271 = vector.shape_cast %get3A_270 : vector<16xi32> to vector<16xi32>
      %shift_right_arithmetic3A = arith.constant 3 : i32
      %shift_right_arithmetic3A_272 = vector.broadcast %shift_right_arithmetic3A : i32 to vector<16xi32>
      %shift_right_arithmetic3A_273 = arith.shrsi %get3A_268, %shift_right_arithmetic3A_272 : vector<16xi32>
      %shift_left3A = arith.constant 15 : i32
      %shift_left3A_274 = vector.broadcast %shift_left3A : i32 to vector<16xi32>
      %shift_left3A_275 = arith.shli %shift_right_arithmetic3A_273, %shift_left3A_274 : vector<16xi32>
      %shift_right_arithmetic3A_276 = arith.constant 7 : i32
      %shift_right_arithmetic3A_277 = vector.broadcast %shift_right_arithmetic3A_276 : i32 to vector<16xi32>
      %shift_right_arithmetic3A_278 = arith.shrsi %get3A_271, %shift_right_arithmetic3A_277 : vector<16xi32>
      %shift_left3A_279 = arith.constant 10 : i32
      %shift_left3A_280 = vector.broadcast %shift_left3A_279 : i32 to vector<16xi32>
      %shift_left3A_281 = arith.shli %shift_right_arithmetic3A_278, %shift_left3A_280 : vector<16xi32>
      %add3A_282 = arith.addi %shift_left3A_275, %shift_left3A_281 : vector<16xi32>
      %and3A = arith.constant 7 : i32
      %and3A_283 = vector.broadcast %and3A : i32 to vector<16xi32>
      %and3A_284 = arith.andi %get3A_268, %and3A_283 : vector<16xi32>
      %shift_left3A_285 = arith.constant 7 : i32
      %shift_left3A_286 = vector.broadcast %shift_left3A_285 : i32 to vector<16xi32>
      %shift_left3A_287 = arith.shli %and3A_284, %shift_left3A_286 : vector<16xi32>
      %add3A_288 = arith.addi %add3A_282, %shift_left3A_287 : vector<16xi32>
      %and3A_289 = arith.constant 127 : i32
      %and3A_290 = vector.broadcast %and3A_289 : i32 to vector<16xi32>
      %and3A_291 = arith.andi %get3A_271, %and3A_290 : vector<16xi32>
      %add3A_292 = arith.addi %add3A_288, %and3A_291 : vector<16xi32>
      %swap3A_293 = arith.index_cast %add3A_266 : i32 to index
      %swap3A_294 = tpu.vector_load %arg12[%swap3A_293] {strides = array<i32>} : memref<8192xi32, #tpu.memory_space<vmem>>, vector<16xi32>,
      %swap3A_295 = vector.shape_cast %swap3A_294 : vector<16xi32> to vector<16xi32>
      %swap3A_296 = vector.shape_cast %add3A_292 : vector<16xi32> to vector<16xi32>
      tpu.vector_store %arg12[%swap3A_293], %swap3A_296 {strides = array<i32>} : memref<8192xi32, #tpu.memory_space<vmem>>, vector<16xi32>,
      %swap3A_297 = arith.index_cast %scan3A_261 : i32 to index
      %swap3A_298 = arith.constant 0 : index
      %swap3A_299 = tpu.vector_load %arg11[%swap3A_297, %swap3A_298] {strides = array<i32>} : memref<64x128xi32, #tpu.memory_space<vmem>>, vector<1x16xi32>,
      %swap3A_300 = vector.shape_cast %swap3A_299 : vector<1x16xi32> to vector<16xi32>
      %swap3A_301 = vector.shape_cast %get3A_268 : vector<16xi32> to vector<1x16xi32>
      tpu.vector_store %arg11[%swap3A_297, %swap3A_298], %swap3A_301 {strides = array<i32>} : memref<64x128xi32, #tpu.memory_space<vmem>>, vector<1x16xi32>,
      %mul3A_302 = arith.constant 128 : i32
      %mul3A_303 = arith.muli %scan3A_261, %mul3A_302 : i32
      %add3A_304 = arith.constant 16 : i32
      %add3A_305 = arith.addi %mul3A_303, %add3A_304 : i32
      %get3A_306 = arith.index_cast %add3A_305 : i32 to index
      %get3A_307 = tpu.vector_load %arg8[%get3A_306] {strides = array<i32>} : memref<8192xi32, #tpu.memory_space<vmem>>, vector<16xi32>,
      %get3A_308 = vector.shape_cast %get3A_307 : vector<16xi32> to vector<16xi32>
      %get3A_309 = arith.index_cast %add3A_305 : i32 to index
      %get3A_310 = tpu.vector_load %arg9[%get3A_309] {strides = array<i32>} : memref<8192xi32, #tpu.memory_space<vmem>>, vector<16xi32>,
      %get3A_311 = vector.shape_cast %get3A_310 : vector<16xi32> to vector<16xi32>
      %shift_right_arithmetic3A_312 = arith.constant 3 : i32
      %shift_right_arithmetic3A_313 = vector.broadcast %shift_right_arithmetic3A_312 : i32 to vector<16xi32>
      %shift_right_arithmetic3A_314 = arith.shrsi %get3A_308, %shift_right_arithmetic3A_313 : vector<16xi32>
      %shift_left3A_315 = arith.constant 15 : i32
      %shift_left3A_316 = vector.broadcast %shift_left3A_315 : i32 to vector<16xi32>
      %shift_left3A_317 = arith.shli %shift_right_arithmetic3A_314, %shift_left3A_316 : vector<16xi32>
      %shift_right_arithmetic3A_318 = arith.constant 7 : i32
      %shift_right_arithmetic3A_319 = vector.broadcast %shift_right_arithmetic3A_318 : i32 to vector<16xi32>
      %shift_right_arithmetic3A_320 = arith.shrsi %get3A_311, %shift_right_arithmetic3A_319 : vector<16xi32>
      %shift_left3A_321 = arith.constant 10 : i32
      %shift_left3A_322 = vector.broadcast %shift_left3A_321 : i32 to vector<16xi32>
      %shift_left3A_323 = arith.shli %shift_right_arithmetic3A_320, %shift_left3A_322 : vector<16xi32>
      %add3A_324 = arith.addi %shift_left3A_317, %shift_left3A_323 : vector<16xi32>
      %and3A_325 = arith.constant 7 : i32
      %and3A_326 = vector.broadcast %and3A_325 : i32 to vector<16xi32>
      %and3A_327 = arith.andi %get3A_308, %and3A_326 : vector<16xi32>
      %shift_left3A_328 = arith.constant 7 : i32
      %shift_left3A_329 = vector.broadcast %shift_left3A_328 : i32 to vector<16xi32>
      %shift_left3A_330 = arith.shli %and3A_327, %shift_left3A_329 : vector<16xi32>
      %add3A_331 = arith.addi %add3A_324, %shift_left3A_330 : vector<16xi32>
      %and3A_332 = arith.constant 127 : i32
      %and3A_333 = vector.broadcast %and3A_332 : i32 to vector<16xi32>
      %and3A_334 = arith.andi %get3A_311, %and3A_333 : vector<16xi32>
      %add3A_335 = arith.addi %add3A_331, %and3A_334 : vector<16xi32>
      %swap3A_336 = arith.index_cast %add3A_305 : i32 to index
      %swap3A_337 = tpu.vector_load %arg12[%swap3A_336] {strides = array<i32>} : memref<8192xi32, #tpu.memory_space<vmem>>, vector<16xi32>,
      %swap3A_338 = vector.shape_cast %swap3A_337 : vector<16xi32> to vector<16xi32>
      %swap3A_339 = vector.shape_cast %add3A_335 : vector<16xi32> to vector<16xi32>
      tpu.vector_store %arg12[%swap3A_336], %swap3A_339 {strides = array<i32>} : memref<8192xi32, #tpu.memory_space<vmem>>, vector<16xi32>,
      %swap3A_340 = arith.index_cast %scan3A_261 : i32 to index
      %swap3A_341 = arith.constant 16 : index
      %swap3A_342 = tpu.vector_load %arg11[%swap3A_340, %swap3A_341] {strides = array<i32>} : memref<64x128xi32, #tpu.memory_space<vmem>>, vector<1x16xi32>,
      %swap3A_343 = vector.shape_cast %swap3A_342 : vector<1x16xi32> to vector<16xi32>
      %swap3A_344 = vector.shape_cast %get3A_308 : vector<16xi32> to vector<1x16xi32>
      tpu.vector_store %arg11[%swap3A_340, %swap3A_341], %swap3A_344 {strides = array<i32>} : memref<64x128xi32, #tpu.memory_space<vmem>>, vector<1x16xi32>,
      %mul3A_345 = arith.constant 128 : i32
      %mul3A_346 = arith.muli %scan3A_261, %mul3A_345 : i32
      %add3A_347 = arith.constant 32 : i32
      %add3A_348 = arith.addi %mul3A_346, %add3A_347 : i32
      %get3A_349 = arith.index_cast %add3A_348 : i32 to index
      %get3A_350 = tpu.vector_load %arg8[%get3A_349] {strides = array<i32>} : memref<8192xi32, #tpu.memory_space<vmem>>, vector<16xi32>,
      %get3A_351 = vector.shape_cast %get3A_350 : vector<16xi32> to vector<16xi32>
      %get3A_352 = arith.index_cast %add3A_348 : i32 to index
      %get3A_353 = tpu.vector_load %arg9[%get3A_352] {strides = array<i32>} : memref<8192xi32, #tpu.memory_space<vmem>>, vector<16xi32>,
      %get3A_354 = vector.shape_cast %get3A_353 : vector<16xi32> to vector<16xi32>
      %shift_right_arithmetic3A_355 = arith.constant 3 : i32
      %shift_right_arithmetic3A_356 = vector.broadcast %shift_right_arithmetic3A_355 : i32 to vector<16xi32>
      %shift_right_arithmetic3A_357 = arith.shrsi %get3A_351, %shift_right_arithmetic3A_356 : vector<16xi32>
      %shift_left3A_358 = arith.constant 15 : i32
      %shift_left3A_359 = vector.broadcast %shift_left3A_358 : i32 to vector<16xi32>
      %shift_left3A_360 = arith.shli %shift_right_arithmetic3A_357, %shift_left3A_359 : vector<16xi32>
      %shift_right_arithmetic3A_361 = arith.constant 7 : i32
      %shift_right_arithmetic3A_362 = vector.broadcast %shift_right_arithmetic3A_361 : i32 to vector<16xi32>
      %shift_right_arithmetic3A_363 = arith.shrsi %get3A_354, %shift_right_arithmetic3A_362 : vector<16xi32>
      %shift_left3A_364 = arith.constant 10 : i32
      %shift_left3A_365 = vector.broadcast %shift_left3A_364 : i32 to vector<16xi32>
      %shift_left3A_366 = arith.shli %shift_right_arithmetic3A_363, %shift_left3A_365 : vector<16xi32>
      %add3A_367 = arith.addi %shift_left3A_360, %shift_left3A_366 : vector<16xi32>
      %and3A_368 = arith.constant 7 : i32
      %and3A_369 = vector.broadcast %and3A_368 : i32 to vector<16xi32>
      %and3A_370 = arith.andi %get3A_351, %and3A_369 : vector<16xi32>
      %shift_left3A_371 = arith.constant 7 : i32
      %shift_left3A_372 = vector.broadcast %shift_left3A_371 : i32 to vector<16xi32>
      %shift_left3A_373 = arith.shli %and3A_370, %shift_left3A_372 : vector<16xi32>
      %add3A_374 = arith.addi %add3A_367, %shift_left3A_373 : vector<16xi32>
      %and3A_375 = arith.constant 127 : i32
      %and3A_376 = vector.broadcast %and3A_375 : i32 to vector<16xi32>
      %and3A_377 = arith.andi %get3A_354, %and3A_376 : vector<16xi32>
      %add3A_378 = arith.addi %add3A_374, %and3A_377 : vector<16xi32>
      %swap3A_379 = arith.index_cast %add3A_348 : i32 to index
      %swap3A_380 = tpu.vector_load %arg12[%swap3A_379] {strides = array<i32>} : memref<8192xi32, #tpu.memory_space<vmem>>, vector<16xi32>,
      %swap3A_381 = vector.shape_cast %swap3A_380 : vector<16xi32> to vector<16xi32>
      %swap3A_382 = vector.shape_cast %add3A_378 : vector<16xi32> to vector<16xi32>
      tpu.vector_store %arg12[%swap3A_379], %swap3A_382 {strides = array<i32>} : memref<8192xi32, #tpu.memory_space<vmem>>, vector<16xi32>,
      %swap3A_383 = arith.index_cast %scan3A_261 : i32 to index
      %swap3A_384 = arith.constant 32 : index
      %swap3A_385 = tpu.vector_load %arg11[%swap3A_383, %swap3A_384] {strides = array<i32>} : memref<64x128xi32, #tpu.memory_space<vmem>>, vector<1x16xi32>,
      %swap3A_386 = vector.shape_cast %swap3A_385 : vector<1x16xi32> to vector<16xi32>
      %swap3A_387 = vector.shape_cast %get3A_351 : vector<16xi32> to vector<1x16xi32>
      tpu.vector_store %arg11[%swap3A_383, %swap3A_384], %swap3A_387 {strides = array<i32>} : memref<64x128xi32, #tpu.memory_space<vmem>>, vector<1x16xi32>,
      %mul3A_388 = arith.constant 128 : i32
      %mul3A_389 = arith.muli %scan3A_261, %mul3A_388 : i32
      %add3A_390 = arith.constant 48 : i32
      %add3A_391 = arith.addi %mul3A_389, %add3A_390 : i32
      %get3A_392 = arith.index_cast %add3A_391 : i32 to index
      %get3A_393 = tpu.vector_load %arg8[%get3A_392] {strides = array<i32>} : memref<8192xi32, #tpu.memory_space<vmem>>, vector<16xi32>,
      %get3A_394 = vector.shape_cast %get3A_393 : vector<16xi32> to vector<16xi32>
      %get3A_395 = arith.index_cast %add3A_391 : i32 to index
      %get3A_396 = tpu.vector_load %arg9[%get3A_395] {strides = array<i32>} : memref<8192xi32, #tpu.memory_space<vmem>>, vector<16xi32>,
      %get3A_397 = vector.shape_cast %get3A_396 : vector<16xi32> to vector<16xi32>
      %shift_right_arithmetic3A_398 = arith.constant 3 : i32
      %shift_right_arithmetic3A_399 = vector.broadcast %shift_right_arithmetic3A_398 : i32 to vector<16xi32>
      %shift_right_arithmetic3A_400 = arith.shrsi %get3A_394, %shift_right_arithmetic3A_399 : vector<16xi32>
      %shift_left3A_401 = arith.constant 15 : i32
      %shift_left3A_402 = vector.broadcast %shift_left3A_401 : i32 to vector<16xi32>
      %shift_left3A_403 = arith.shli %shift_right_arithmetic3A_400, %shift_left3A_402 : vector<16xi32>
      %shift_right_arithmetic3A_404 = arith.constant 7 : i32
      %shift_right_arithmetic3A_405 = vector.broadcast %shift_right_arithmetic3A_404 : i32 to vector<16xi32>
      %shift_right_arithmetic3A_406 = arith.shrsi %get3A_397, %shift_right_arithmetic3A_405 : vector<16xi32>
      %shift_left3A_407 = arith.constant 10 : i32
      %shift_left3A_408 = vector.broadcast %shift_left3A_407 : i32 to vector<16xi32>
      %shift_left3A_409 = arith.shli %shift_right_arithmetic3A_406, %shift_left3A_408 : vector<16xi32>
      %add3A_410 = arith.addi %shift_left3A_403, %shift_left3A_409 : vector<16xi32>
      %and3A_411 = arith.constant 7 : i32
      %and3A_412 = vector.broadcast %and3A_411 : i32 to vector<16xi32>
      %and3A_413 = arith.andi %get3A_394, %and3A_412 : vector<16xi32>
      %shift_left3A_414 = arith.constant 7 : i32
      %shift_left3A_415 = vector.broadcast %shift_left3A_414 : i32 to vector<16xi32>
      %shift_left3A_416 = arith.shli %and3A_413, %shift_left3A_415 : vector<16xi32>
      %add3A_417 = arith.addi %add3A_410, %shift_left3A_416 : vector<16xi32>
      %and3A_418 = arith.constant 127 : i32
      %and3A_419 = vector.broadcast %and3A_418 : i32 to vector<16xi32>
      %and3A_420 = arith.andi %get3A_397, %and3A_419 : vector<16xi32>
      %add3A_421 = arith.addi %add3A_417, %and3A_420 : vector<16xi32>
      %swap3A_422 = arith.index_cast %add3A_391 : i32 to index
      %swap3A_423 = tpu.vector_load %arg12[%swap3A_422] {strides = array<i32>} : memref<8192xi32, #tpu.memory_space<vmem>>, vector<16xi32>,
      %swap3A_424 = vector.shape_cast %swap3A_423 : vector<16xi32> to vector<16xi32>
      %swap3A_425 = vector.shape_cast %add3A_421 : vector<16xi32> to vector<16xi32>
      tpu.vector_store %arg12[%swap3A_422], %swap3A_425 {strides = array<i32>} : memref<8192xi32, #tpu.memory_space<vmem>>, vector<16xi32>,
      %swap3A_426 = arith.index_cast %scan3A_261 : i32 to index
      %swap3A_427 = arith.constant 48 : index
      %swap3A_428 = tpu.vector_load %arg11[%swap3A_426, %swap3A_427] {strides = array<i32>} : memref<64x128xi32, #tpu.memory_space<vmem>>, vector<1x16xi32>,
      %swap3A_429 = vector.shape_cast %swap3A_428 : vector<1x16xi32> to vector<16xi32>
      %swap3A_430 = vector.shape_cast %get3A_394 : vector<16xi32> to vector<1x16xi32>
      tpu.vector_store %arg11[%swap3A_426, %swap3A_427], %swap3A_430 {strides = array<i32>} : memref<64x128xi32, #tpu.memory_space<vmem>>, vector<1x16xi32>,
      %mul3A_431 = arith.constant 128 : i32
      %mul3A_432 = arith.muli %scan3A_261, %mul3A_431 : i32
      %add3A_433 = arith.constant 64 : i32
      %add3A_434 = arith.addi %mul3A_432, %add3A_433 : i32
      %get3A_435 = arith.index_cast %add3A_434 : i32 to index
      %get3A_436 = tpu.vector_load %arg8[%get3A_435] {strides = array<i32>} : memref<8192xi32, #tpu.memory_space<vmem>>, vector<16xi32>,
      %get3A_437 = vector.shape_cast %get3A_436 : vector<16xi32> to vector<16xi32>
      %get3A_438 = arith.index_cast %add3A_434 : i32 to index
      %get3A_439 = tpu.vector_load %arg9[%get3A_438] {strides = array<i32>} : memref<8192xi32, #tpu.memory_space<vmem>>, vector<16xi32>,
      %get3A_440 = vector.shape_cast %get3A_439 : vector<16xi32> to vector<16xi32>
      %shift_right_arithmetic3A_441 = arith.constant 3 : i32
      %shift_right_arithmetic3A_442 = vector.broadcast %shift_right_arithmetic3A_441 : i32 to vector<16xi32>
      %shift_right_arithmetic3A_443 = arith.shrsi %get3A_437, %shift_right_arithmetic3A_442 : vector<16xi32>
      %shift_left3A_444 = arith.constant 15 : i32
      %shift_left3A_445 = vector.broadcast %shift_left3A_444 : i32 to vector<16xi32>
      %shift_left3A_446 = arith.shli %shift_right_arithmetic3A_443, %shift_left3A_445 : vector<16xi32>
      %shift_right_arithmetic3A_447 = arith.constant 7 : i32
      %shift_right_arithmetic3A_448 = vector.broadcast %shift_right_arithmetic3A_447 : i32 to vector<16xi32>
      %shift_right_arithmetic3A_449 = arith.shrsi %get3A_440, %shift_right_arithmetic3A_448 : vector<16xi32>
      %shift_left3A_450 = arith.constant 10 : i32
      %shift_left3A_451 = vector.broadcast %shift_left3A_450 : i32 to vector<16xi32>
      %shift_left3A_452 = arith.shli %shift_right_arithmetic3A_449, %shift_left3A_451 : vector<16xi32>
      %add3A_453 = arith.addi %shift_left3A_446, %shift_left3A_452 : vector<16xi32>
      %and3A_454 = arith.constant 7 : i32
      %and3A_455 = vector.broadcast %and3A_454 : i32 to vector<16xi32>
      %and3A_456 = arith.andi %get3A_437, %and3A_455 : vector<16xi32>
      %shift_left3A_457 = arith.constant 7 : i32
      %shift_left3A_458 = vector.broadcast %shift_left3A_457 : i32 to vector<16xi32>
      %shift_left3A_459 = arith.shli %and3A_456, %shift_left3A_458 : vector<16xi32>
      %add3A_460 = arith.addi %add3A_453, %shift_left3A_459 : vector<16xi32>
      %and3A_461 = arith.constant 127 : i32
      %and3A_462 = vector.broadcast %and3A_461 : i32 to vector<16xi32>
      %and3A_463 = arith.andi %get3A_440, %and3A_462 : vector<16xi32>
      %add3A_464 = arith.addi %add3A_460, %and3A_463 : vector<16xi32>
      %swap3A_465 = arith.index_cast %add3A_434 : i32 to index
      %swap3A_466 = tpu.vector_load %arg12[%swap3A_465] {strides = array<i32>} : memref<8192xi32, #tpu.memory_space<vmem>>, vector<16xi32>,
      %swap3A_467 = vector.shape_cast %swap3A_466 : vector<16xi32> to vector<16xi32>
      %swap3A_468 = vector.shape_cast %add3A_464 : vector<16xi32> to vector<16xi32>
      tpu.vector_store %arg12[%swap3A_465], %swap3A_468 {strides = array<i32>} : memref<8192xi32, #tpu.memory_space<vmem>>, vector<16xi32>,
      %swap3A_469 = arith.index_cast %scan3A_261 : i32 to index
      %swap3A_470 = arith.constant 64 : index
      %swap3A_471 = tpu.vector_load %arg11[%swap3A_469, %swap3A_470] {strides = array<i32>} : memref<64x128xi32, #tpu.memory_space<vmem>>, vector<1x16xi32>,
      %swap3A_472 = vector.shape_cast %swap3A_471 : vector<1x16xi32> to vector<16xi32>
      %swap3A_473 = vector.shape_cast %get3A_437 : vector<16xi32> to vector<1x16xi32>
      tpu.vector_store %arg11[%swap3A_469, %swap3A_470], %swap3A_473 {strides = array<i32>} : memref<64x128xi32, #tpu.memory_space<vmem>>, vector<1x16xi32>,
      %mul3A_474 = arith.constant 128 : i32
      %mul3A_475 = arith.muli %scan3A_261, %mul3A_474 : i32
      %add3A_476 = arith.constant 80 : i32
      %add3A_477 = arith.addi %mul3A_475, %add3A_476 : i32
      %get3A_478 = arith.index_cast %add3A_477 : i32 to index
      %get3A_479 = tpu.vector_load %arg8[%get3A_478] {strides = array<i32>} : memref<8192xi32, #tpu.memory_space<vmem>>, vector<16xi32>,
      %get3A_480 = vector.shape_cast %get3A_479 : vector<16xi32> to vector<16xi32>
      %get3A_481 = arith.index_cast %add3A_477 : i32 to index
      %get3A_482 = tpu.vector_load %arg9[%get3A_481] {strides = array<i32>} : memref<8192xi32, #tpu.memory_space<vmem>>, vector<16xi32>,
      %get3A_483 = vector.shape_cast %get3A_482 : vector<16xi32> to vector<16xi32>
      %shift_right_arithmetic3A_484 = arith.constant 3 : i32
      %shift_right_arithmetic3A_485 = vector.broadcast %shift_right_arithmetic3A_484 : i32 to vector<16xi32>
      %shift_right_arithmetic3A_486 = arith.shrsi %get3A_480, %shift_right_arithmetic3A_485 : vector<16xi32>
      %shift_left3A_487 = arith.constant 15 : i32
      %shift_left3A_488 = vector.broadcast %shift_left3A_487 : i32 to vector<16xi32>
      %shift_left3A_489 = arith.shli %shift_right_arithmetic3A_486, %shift_left3A_488 : vector<16xi32>
      %shift_right_arithmetic3A_490 = arith.constant 7 : i32
      %shift_right_arithmetic3A_491 = vector.broadcast %shift_right_arithmetic3A_490 : i32 to vector<16xi32>
      %shift_right_arithmetic3A_492 = arith.shrsi %get3A_483, %shift_right_arithmetic3A_491 : vector<16xi32>
      %shift_left3A_493 = arith.constant 10 : i32
      %shift_left3A_494 = vector.broadcast %shift_left3A_493 : i32 to vector<16xi32>
      %shift_left3A_495 = arith.shli %shift_right_arithmetic3A_492, %shift_left3A_494 : vector<16xi32>
      %add3A_496 = arith.addi %shift_left3A_489, %shift_left3A_495 : vector<16xi32>
      %and3A_497 = arith.constant 7 : i32
      %and3A_498 = vector.broadcast %and3A_497 : i32 to vector<16xi32>
      %and3A_499 = arith.andi %get3A_480, %and3A_498 : vector<16xi32>
      %shift_left3A_500 = arith.constant 7 : i32
      %shift_left3A_501 = vector.broadcast %shift_left3A_500 : i32 to vector<16xi32>
      %shift_left3A_502 = arith.shli %and3A_499, %shift_left3A_501 : vector<16xi32>
      %add3A_503 = arith.addi %add3A_496, %shift_left3A_502 : vector<16xi32>
      %and3A_504 = arith.constant 127 : i32
      %and3A_505 = vector.broadcast %and3A_504 : i32 to vector<16xi32>
      %and3A_506 = arith.andi %get3A_483, %and3A_505 : vector<16xi32>
      %add3A_507 = arith.addi %add3A_503, %and3A_506 : vector<16xi32>
      %swap3A_508 = arith.index_cast %add3A_477 : i32 to index
      %swap3A_509 = tpu.vector_load %arg12[%swap3A_508] {strides = array<i32>} : memref<8192xi32, #tpu.memory_space<vmem>>, vector<16xi32>,
      %swap3A_510 = vector.shape_cast %swap3A_509 : vector<16xi32> to vector<16xi32>
      %swap3A_511 = vector.shape_cast %add3A_507 : vector<16xi32> to vector<16xi32>
      tpu.vector_store %arg12[%swap3A_508], %swap3A_511 {strides = array<i32>} : memref<8192xi32, #tpu.memory_space<vmem>>, vector<16xi32>,
      %swap3A_512 = arith.index_cast %scan3A_261 : i32 to index
      %swap3A_513 = arith.constant 80 : index
      %swap3A_514 = tpu.vector_load %arg11[%swap3A_512, %swap3A_513] {strides = array<i32>} : memref<64x128xi32, #tpu.memory_space<vmem>>, vector<1x16xi32>,
      %swap3A_515 = vector.shape_cast %swap3A_514 : vector<1x16xi32> to vector<16xi32>
      %swap3A_516 = vector.shape_cast %get3A_480 : vector<16xi32> to vector<1x16xi32>
      tpu.vector_store %arg11[%swap3A_512, %swap3A_513], %swap3A_516 {strides = array<i32>} : memref<64x128xi32, #tpu.memory_space<vmem>>, vector<1x16xi32>,
      %mul3A_517 = arith.constant 128 : i32
      %mul3A_518 = arith.muli %scan3A_261, %mul3A_517 : i32
      %add3A_519 = arith.constant 96 : i32
      %add3A_520 = arith.addi %mul3A_518, %add3A_519 : i32
      %get3A_521 = arith.index_cast %add3A_520 : i32 to index
      %get3A_522 = tpu.vector_load %arg8[%get3A_521] {strides = array<i32>} : memref<8192xi32, #tpu.memory_space<vmem>>, vector<16xi32>,
      %get3A_523 = vector.shape_cast %get3A_522 : vector<16xi32> to vector<16xi32>
      %get3A_524 = arith.index_cast %add3A_520 : i32 to index
      %get3A_525 = tpu.vector_load %arg9[%get3A_524] {strides = array<i32>} : memref<8192xi32, #tpu.memory_space<vmem>>, vector<16xi32>,
      %get3A_526 = vector.shape_cast %get3A_525 : vector<16xi32> to vector<16xi32>
      %shift_right_arithmetic3A_527 = arith.constant 3 : i32
      %shift_right_arithmetic3A_528 = vector.broadcast %shift_right_arithmetic3A_527 : i32 to vector<16xi32>
      %shift_right_arithmetic3A_529 = arith.shrsi %get3A_523, %shift_right_arithmetic3A_528 : vector<16xi32>
      %shift_left3A_530 = arith.constant 15 : i32
      %shift_left3A_531 = vector.broadcast %shift_left3A_530 : i32 to vector<16xi32>
      %shift_left3A_532 = arith.shli %shift_right_arithmetic3A_529, %shift_left3A_531 : vector<16xi32>
      %shift_right_arithmetic3A_533 = arith.constant 7 : i32
      %shift_right_arithmetic3A_534 = vector.broadcast %shift_right_arithmetic3A_533 : i32 to vector<16xi32>
      %shift_right_arithmetic3A_535 = arith.shrsi %get3A_526, %shift_right_arithmetic3A_534 : vector<16xi32>
      %shift_left3A_536 = arith.constant 10 : i32
      %shift_left3A_537 = vector.broadcast %shift_left3A_536 : i32 to vector<16xi32>
      %shift_left3A_538 = arith.shli %shift_right_arithmetic3A_535, %shift_left3A_537 : vector<16xi32>
      %add3A_539 = arith.addi %shift_left3A_532, %shift_left3A_538 : vector<16xi32>
      %and3A_540 = arith.constant 7 : i32
      %and3A_541 = vector.broadcast %and3A_540 : i32 to vector<16xi32>
      %and3A_542 = arith.andi %get3A_523, %and3A_541 : vector<16xi32>
      %shift_left3A_543 = arith.constant 7 : i32
      %shift_left3A_544 = vector.broadcast %shift_left3A_543 : i32 to vector<16xi32>
      %shift_left3A_545 = arith.shli %and3A_542, %shift_left3A_544 : vector<16xi32>
      %add3A_546 = arith.addi %add3A_539, %shift_left3A_545 : vector<16xi32>
      %and3A_547 = arith.constant 127 : i32
      %and3A_548 = vector.broadcast %and3A_547 : i32 to vector<16xi32>
      %and3A_549 = arith.andi %get3A_526, %and3A_548 : vector<16xi32>
      %add3A_550 = arith.addi %add3A_546, %and3A_549 : vector<16xi32>
      %swap3A_551 = arith.index_cast %add3A_520 : i32 to index
      %swap3A_552 = tpu.vector_load %arg12[%swap3A_551] {strides = array<i32>} : memref<8192xi32, #tpu.memory_space<vmem>>, vector<16xi32>,
      %swap3A_553 = vector.shape_cast %swap3A_552 : vector<16xi32> to vector<16xi32>
      %swap3A_554 = vector.shape_cast %add3A_550 : vector<16xi32> to vector<16xi32>
      tpu.vector_store %arg12[%swap3A_551], %swap3A_554 {strides = array<i32>} : memref<8192xi32, #tpu.memory_space<vmem>>, vector<16xi32>,
      %swap3A_555 = arith.index_cast %scan3A_261 : i32 to index
      %swap3A_556 = arith.constant 96 : index
      %swap3A_557 = tpu.vector_load %arg11[%swap3A_555, %swap3A_556] {strides = array<i32>} : memref<64x128xi32, #tpu.memory_space<vmem>>, vector<1x16xi32>,
      %swap3A_558 = vector.shape_cast %swap3A_557 : vector<1x16xi32> to vector<16xi32>
      %swap3A_559 = vector.shape_cast %get3A_523 : vector<16xi32> to vector<1x16xi32>
      tpu.vector_store %arg11[%swap3A_555, %swap3A_556], %swap3A_559 {strides = array<i32>} : memref<64x128xi32, #tpu.memory_space<vmem>>, vector<1x16xi32>,
      %mul3A_560 = arith.constant 128 : i32
      %mul3A_561 = arith.muli %scan3A_261, %mul3A_560 : i32
      %add3A_562 = arith.constant 112 : i32
      %add3A_563 = arith.addi %mul3A_561, %add3A_562 : i32
      %get3A_564 = arith.index_cast %add3A_563 : i32 to index
      %get3A_565 = tpu.vector_load %arg8[%get3A_564] {strides = array<i32>} : memref<8192xi32, #tpu.memory_space<vmem>>, vector<16xi32>,
      %get3A_566 = vector.shape_cast %get3A_565 : vector<16xi32> to vector<16xi32>
      %get3A_567 = arith.index_cast %add3A_563 : i32 to index
      %get3A_568 = tpu.vector_load %arg9[%get3A_567] {strides = array<i32>} : memref<8192xi32, #tpu.memory_space<vmem>>, vector<16xi32>,
      %get3A_569 = vector.shape_cast %get3A_568 : vector<16xi32> to vector<16xi32>
      %shift_right_arithmetic3A_570 = arith.constant 3 : i32
      %shift_right_arithmetic3A_571 = vector.broadcast %shift_right_arithmetic3A_570 : i32 to vector<16xi32>
      %shift_right_arithmetic3A_572 = arith.shrsi %get3A_566, %shift_right_arithmetic3A_571 : vector<16xi32>
      %shift_left3A_573 = arith.constant 15 : i32
      %shift_left3A_574 = vector.broadcast %shift_left3A_573 : i32 to vector<16xi32>
      %shift_left3A_575 = arith.shli %shift_right_arithmetic3A_572, %shift_left3A_574 : vector<16xi32>
      %shift_right_arithmetic3A_576 = arith.constant 7 : i32
      %shift_right_arithmetic3A_577 = vector.broadcast %shift_right_arithmetic3A_576 : i32 to vector<16xi32>
      %shift_right_arithmetic3A_578 = arith.shrsi %get3A_569, %shift_right_arithmetic3A_577 : vector<16xi32>
      %shift_left3A_579 = arith.constant 10 : i32
      %shift_left3A_580 = vector.broadcast %shift_left3A_579 : i32 to vector<16xi32>
      %shift_left3A_581 = arith.shli %shift_right_arithmetic3A_578, %shift_left3A_580 : vector<16xi32>
      %add3A_582 = arith.addi %shift_left3A_575, %shift_left3A_581 : vector<16xi32>
      %and3A_583 = arith.constant 7 : i32
      %and3A_584 = vector.broadcast %and3A_583 : i32 to vector<16xi32>
      %and3A_585 = arith.andi %get3A_566, %and3A_584 : vector<16xi32>
      %shift_left3A_586 = arith.constant 7 : i32
      %shift_left3A_587 = vector.broadcast %shift_left3A_586 : i32 to vector<16xi32>
      %shift_left3A_588 = arith.shli %and3A_585, %shift_left3A_587 : vector<16xi32>
      %add3A_589 = arith.addi %add3A_582, %shift_left3A_588 : vector<16xi32>
      %and3A_590 = arith.constant 127 : i32
      %and3A_591 = vector.broadcast %and3A_590 : i32 to vector<16xi32>
      %and3A_592 = arith.andi %get3A_569, %and3A_591 : vector<16xi32>
      %add3A_593 = arith.addi %add3A_589, %and3A_592 : vector<16xi32>
      %swap3A_594 = arith.index_cast %add3A_563 : i32 to index
      %swap3A_595 = tpu.vector_load %arg12[%swap3A_594] {strides = array<i32>} : memref<8192xi32, #tpu.memory_space<vmem>>, vector<16xi32>,
      %swap3A_596 = vector.shape_cast %swap3A_595 : vector<16xi32> to vector<16xi32>
      %swap3A_597 = vector.shape_cast %add3A_593 : vector<16xi32> to vector<16xi32>
      tpu.vector_store %arg12[%swap3A_594], %swap3A_597 {strides = array<i32>} : memref<8192xi32, #tpu.memory_space<vmem>>, vector<16xi32>,
      %swap3A_598 = arith.index_cast %scan3A_261 : i32 to index
      %swap3A_599 = arith.constant 112 : index
      %swap3A_600 = tpu.vector_load %arg11[%swap3A_598, %swap3A_599] {strides = array<i32>} : memref<64x128xi32, #tpu.memory_space<vmem>>, vector<1x16xi32>,
      %swap3A_601 = vector.shape_cast %swap3A_600 : vector<1x16xi32> to vector<16xi32>
      %swap3A_602 = vector.shape_cast %get3A_566 : vector<16xi32> to vector<1x16xi32>
      tpu.vector_store %arg11[%swap3A_598, %swap3A_599], %swap3A_602 {strides = array<i32>} : memref<64x128xi32, #tpu.memory_space<vmem>>, vector<1x16xi32>,
      %scan3A_603 = arith.constant 0 : i32
      scf.yield %scan3A_603 : i32
    }
    %scan3A_127 = arith.constant 32 : i32
    %dma_start3A_128 = arith.constant 4096 : i32
    %dma_start3A_129 = tpu.memref_slice %arg13[%dma_start3A_128] : memref<8192xf32, #tpu.memory_space<vmem>> -> memref<4096xf32, #tpu.memory_space<vmem>>
    %dma_start3A_130 = arith.constant 4096 : i32
    %dma_start3A_131 = tpu.memref_slice %arg12[%dma_start3A_130] : memref<8192xi32, #tpu.memory_space<vmem>> -> memref<4096xi32, #tpu.memory_space<vmem>>
    %dma_start3A_132 = arith.constant 0 : i32
    %dma_start3A_133 = tpu.memref_slice %arg2[%dma_start3A_132] : memref<16777216xf32, #tpu.memory_space<hbm>> -> memref<16777216xf32, #tpu.memory_space<hbm>>
    tpu.enqueue_indirect_dma source(%dma_start3A_133 : memref<16777216xf32, #tpu.memory_space<hbm>>) target(%dma_start3A_129 : memref<4096xf32, #tpu.memory_space<vmem>>) offsets(%dma_start3A_131 : memref<4096xi32, #tpu.memory_space<vmem>>) semaphore(%arg21 : memref<!tpu.dma_semaphore, #tpu.memory_space<semaphore_mem>>)
    %scan3A_134 = arith.constant 0 : i32
    %scan3A_135 = arith.constant 0 : i32
    %scan3A_136 = arith.constant 64 : i32
    %scan3A_137 = arith.addi %scan3A_135, %scan3A_136 : i32
    %scan3A_138 = arith.constant 1 : i32
    %scan3A_139 = scf.for %scan3A_261 = %scan3A_135 to %scan3A_137 step %scan3A_138 iter_args(%scan3A_262 = %scan3A_134) -> (i32)  : i32 {
      %mul3A_263 = arith.constant 128 : i32
      %mul3A_264 = arith.muli %scan3A_261, %mul3A_263 : i32
      %add3A_265 = arith.constant 0 : i32
      %add3A_266 = arith.addi %mul3A_264, %add3A_265 : i32
      %get3A = arith.index_cast %add3A_266 : i32 to index
      %get3A_267 = tpu.vector_load %arg10[%get3A] {strides = array<i32>} : memref<8192xf32, #tpu.memory_space<vmem>>, vector<16xf32>,
      %get3A_268 = vector.shape_cast %get3A_267 : vector<16xf32> to vector<16xf32>
      %neg3A = arith.constant 0.000000e+00 : f32
      %neg3A_269 = vector.broadcast %neg3A : f32 to vector<16xf32>
      %neg3A_270 = arith.subf %neg3A_269, %get3A_268 : vector<16xf32>
      %exp3A = math.exp %neg3A_270 : vector<16xf32>
      %add3A_271 = arith.constant 1.000000e+00 : f32
      %add3A_272 = vector.broadcast %add3A_271 : f32 to vector<16xf32>
      %add3A_273 = arith.addf %add3A_272, %exp3A : vector<16xf32>
      %div3A = arith.constant 1.000000e+00 : f32
      %div3A_274 = vector.broadcast %div3A : f32 to vector<16xf32>
      %div3A_275 = arith.divf %div3A_274, %add3A_273 : vector<16xf32>
      %swap3A_276 = arith.index_cast %scan3A_261 : i32 to index
      %swap3A_277 = arith.constant 0 : index
      %swap3A_278 = tpu.vector_load %arg14[%swap3A_276, %swap3A_277] {strides = array<i32>} : memref<64x128xf32, #tpu.memory_space<vmem>>, vector<1x16xf32>,
      %swap3A_279 = vector.shape_cast %swap3A_278 : vector<1x16xf32> to vector<16xf32>
      %swap3A_280 = vector.shape_cast %div3A_275 : vector<16xf32> to vector<1x16xf32>
      tpu.vector_store %arg14[%swap3A_276, %swap3A_277], %swap3A_280 {strides = array<i32>} : memref<64x128xf32, #tpu.memory_space<vmem>>, vector<1x16xf32>,
      %mul3A_281 = arith.constant 128 : i32
      %mul3A_282 = arith.muli %scan3A_261, %mul3A_281 : i32
      %add3A_283 = arith.constant 16 : i32
      %add3A_284 = arith.addi %mul3A_282, %add3A_283 : i32
      %get3A_285 = arith.index_cast %add3A_284 : i32 to index
      %get3A_286 = tpu.vector_load %arg10[%get3A_285] {strides = array<i32>} : memref<8192xf32, #tpu.memory_space<vmem>>, vector<16xf32>,
      %get3A_287 = vector.shape_cast %get3A_286 : vector<16xf32> to vector<16xf32>
      %neg3A_288 = arith.constant 0.000000e+00 : f32
      %neg3A_289 = vector.broadcast %neg3A_288 : f32 to vector<16xf32>
      %neg3A_290 = arith.subf %neg3A_289, %get3A_287 : vector<16xf32>
      %exp3A_291 = math.exp %neg3A_290 : vector<16xf32>
      %add3A_292 = arith.constant 1.000000e+00 : f32
      %add3A_293 = vector.broadcast %add3A_292 : f32 to vector<16xf32>
      %add3A_294 = arith.addf %add3A_293, %exp3A_291 : vector<16xf32>
      %div3A_295 = arith.constant 1.000000e+00 : f32
      %div3A_296 = vector.broadcast %div3A_295 : f32 to vector<16xf32>
      %div3A_297 = arith.divf %div3A_296, %add3A_294 : vector<16xf32>
      %swap3A_298 = arith.index_cast %scan3A_261 : i32 to index
      %swap3A_299 = arith.constant 16 : index
      %swap3A_300 = tpu.vector_load %arg14[%swap3A_298, %swap3A_299] {strides = array<i32>} : memref<64x128xf32, #tpu.memory_space<vmem>>, vector<1x16xf32>,
      %swap3A_301 = vector.shape_cast %swap3A_300 : vector<1x16xf32> to vector<16xf32>
      %swap3A_302 = vector.shape_cast %div3A_297 : vector<16xf32> to vector<1x16xf32>
      tpu.vector_store %arg14[%swap3A_298, %swap3A_299], %swap3A_302 {strides = array<i32>} : memref<64x128xf32, #tpu.memory_space<vmem>>, vector<1x16xf32>,
      %mul3A_303 = arith.constant 128 : i32
      %mul3A_304 = arith.muli %scan3A_261, %mul3A_303 : i32
      %add3A_305 = arith.constant 32 : i32
      %add3A_306 = arith.addi %mul3A_304, %add3A_305 : i32
      %get3A_307 = arith.index_cast %add3A_306 : i32 to index
      %get3A_308 = tpu.vector_load %arg10[%get3A_307] {strides = array<i32>} : memref<8192xf32, #tpu.memory_space<vmem>>, vector<16xf32>,
      %get3A_309 = vector.shape_cast %get3A_308 : vector<16xf32> to vector<16xf32>
      %neg3A_310 = arith.constant 0.000000e+00 : f32
      %neg3A_311 = vector.broadcast %neg3A_310 : f32 to vector<16xf32>
      %neg3A_312 = arith.subf %neg3A_311, %get3A_309 : vector<16xf32>
      %exp3A_313 = math.exp %neg3A_312 : vector<16xf32>
      %add3A_314 = arith.constant 1.000000e+00 : f32
      %add3A_315 = vector.broadcast %add3A_314 : f32 to vector<16xf32>
      %add3A_316 = arith.addf %add3A_315, %exp3A_313 : vector<16xf32>
      %div3A_317 = arith.constant 1.000000e+00 : f32
      %div3A_318 = vector.broadcast %div3A_317 : f32 to vector<16xf32>
      %div3A_319 = arith.divf %div3A_318, %add3A_316 : vector<16xf32>
      %swap3A_320 = arith.index_cast %scan3A_261 : i32 to index
      %swap3A_321 = arith.constant 32 : index
      %swap3A_322 = tpu.vector_load %arg14[%swap3A_320, %swap3A_321] {strides = array<i32>} : memref<64x128xf32, #tpu.memory_space<vmem>>, vector<1x16xf32>,
      %swap3A_323 = vector.shape_cast %swap3A_322 : vector<1x16xf32> to vector<16xf32>
      %swap3A_324 = vector.shape_cast %div3A_319 : vector<16xf32> to vector<1x16xf32>
      tpu.vector_store %arg14[%swap3A_320, %swap3A_321], %swap3A_324 {strides = array<i32>} : memref<64x128xf32, #tpu.memory_space<vmem>>, vector<1x16xf32>,
      %mul3A_325 = arith.constant 128 : i32
      %mul3A_326 = arith.muli %scan3A_261, %mul3A_325 : i32
      %add3A_327 = arith.constant 48 : i32
      %add3A_328 = arith.addi %mul3A_326, %add3A_327 : i32
      %get3A_329 = arith.index_cast %add3A_328 : i32 to index
      %get3A_330 = tpu.vector_load %arg10[%get3A_329] {strides = array<i32>} : memref<8192xf32, #tpu.memory_space<vmem>>, vector<16xf32>,
      %get3A_331 = vector.shape_cast %get3A_330 : vector<16xf32> to vector<16xf32>
      %neg3A_332 = arith.constant 0.000000e+00 : f32
      %neg3A_333 = vector.broadcast %neg3A_332 : f32 to vector<16xf32>
      %neg3A_334 = arith.subf %neg3A_333, %get3A_331 : vector<16xf32>
      %exp3A_335 = math.exp %neg3A_334 : vector<16xf32>
      %add3A_336 = arith.constant 1.000000e+00 : f32
      %add3A_337 = vector.broadcast %add3A_336 : f32 to vector<16xf32>
      %add3A_338 = arith.addf %add3A_337, %exp3A_335 : vector<16xf32>
      %div3A_339 = arith.constant 1.000000e+00 : f32
      %div3A_340 = vector.broadcast %div3A_339 : f32 to vector<16xf32>
      %div3A_341 = arith.divf %div3A_340, %add3A_338 : vector<16xf32>
      %swap3A_342 = arith.index_cast %scan3A_261 : i32 to index
      %swap3A_343 = arith.constant 48 : index
      %swap3A_344 = tpu.vector_load %arg14[%swap3A_342, %swap3A_343] {strides = array<i32>} : memref<64x128xf32, #tpu.memory_space<vmem>>, vector<1x16xf32>,
      %swap3A_345 = vector.shape_cast %swap3A_344 : vector<1x16xf32> to vector<16xf32>
      %swap3A_346 = vector.shape_cast %div3A_341 : vector<16xf32> to vector<1x16xf32>
      tpu.vector_store %arg14[%swap3A_342, %swap3A_343], %swap3A_346 {strides = array<i32>} : memref<64x128xf32, #tpu.memory_space<vmem>>, vector<1x16xf32>,
      %mul3A_347 = arith.constant 128 : i32
      %mul3A_348 = arith.muli %scan3A_261, %mul3A_347 : i32
      %add3A_349 = arith.constant 64 : i32
      %add3A_350 = arith.addi %mul3A_348, %add3A_349 : i32
      %get3A_351 = arith.index_cast %add3A_350 : i32 to index
      %get3A_352 = tpu.vector_load %arg10[%get3A_351] {strides = array<i32>} : memref<8192xf32, #tpu.memory_space<vmem>>, vector<16xf32>,
      %get3A_353 = vector.shape_cast %get3A_352 : vector<16xf32> to vector<16xf32>
      %neg3A_354 = arith.constant 0.000000e+00 : f32
      %neg3A_355 = vector.broadcast %neg3A_354 : f32 to vector<16xf32>
      %neg3A_356 = arith.subf %neg3A_355, %get3A_353 : vector<16xf32>
      %exp3A_357 = math.exp %neg3A_356 : vector<16xf32>
      %add3A_358 = arith.constant 1.000000e+00 : f32
      %add3A_359 = vector.broadcast %add3A_358 : f32 to vector<16xf32>
      %add3A_360 = arith.addf %add3A_359, %exp3A_357 : vector<16xf32>
      %div3A_361 = arith.constant 1.000000e+00 : f32
      %div3A_362 = vector.broadcast %div3A_361 : f32 to vector<16xf32>
      %div3A_363 = arith.divf %div3A_362, %add3A_360 : vector<16xf32>
      %swap3A_364 = arith.index_cast %scan3A_261 : i32 to index
      %swap3A_365 = arith.constant 64 : index
      %swap3A_366 = tpu.vector_load %arg14[%swap3A_364, %swap3A_365] {strides = array<i32>} : memref<64x128xf32, #tpu.memory_space<vmem>>, vector<1x16xf32>,
      %swap3A_367 = vector.shape_cast %swap3A_366 : vector<1x16xf32> to vector<16xf32>
      %swap3A_368 = vector.shape_cast %div3A_363 : vector<16xf32> to vector<1x16xf32>
      tpu.vector_store %arg14[%swap3A_364, %swap3A_365], %swap3A_368 {strides = array<i32>} : memref<64x128xf32, #tpu.memory_space<vmem>>, vector<1x16xf32>,
      %mul3A_369 = arith.constant 128 : i32
      %mul3A_370 = arith.muli %scan3A_261, %mul3A_369 : i32
      %add3A_371 = arith.constant 80 : i32
      %add3A_372 = arith.addi %mul3A_370, %add3A_371 : i32
      %get3A_373 = arith.index_cast %add3A_372 : i32 to index
      %get3A_374 = tpu.vector_load %arg10[%get3A_373] {strides = array<i32>} : memref<8192xf32, #tpu.memory_space<vmem>>, vector<16xf32>,
      %get3A_375 = vector.shape_cast %get3A_374 : vector<16xf32> to vector<16xf32>
      %neg3A_376 = arith.constant 0.000000e+00 : f32
      %neg3A_377 = vector.broadcast %neg3A_376 : f32 to vector<16xf32>
      %neg3A_378 = arith.subf %neg3A_377, %get3A_375 : vector<16xf32>
      %exp3A_379 = math.exp %neg3A_378 : vector<16xf32>
      %add3A_380 = arith.constant 1.000000e+00 : f32
      %add3A_381 = vector.broadcast %add3A_380 : f32 to vector<16xf32>
      %add3A_382 = arith.addf %add3A_381, %exp3A_379 : vector<16xf32>
      %div3A_383 = arith.constant 1.000000e+00 : f32
      %div3A_384 = vector.broadcast %div3A_383 : f32 to vector<16xf32>
      %div3A_385 = arith.divf %div3A_384, %add3A_382 : vector<16xf32>
      %swap3A_386 = arith.index_cast %scan3A_261 : i32 to index
      %swap3A_387 = arith.constant 80 : index
      %swap3A_388 = tpu.vector_load %arg14[%swap3A_386, %swap3A_387] {strides = array<i32>} : memref<64x128xf32, #tpu.memory_space<vmem>>, vector<1x16xf32>,
      %swap3A_389 = vector.shape_cast %swap3A_388 : vector<1x16xf32> to vector<16xf32>
      %swap3A_390 = vector.shape_cast %div3A_385 : vector<16xf32> to vector<1x16xf32>
      tpu.vector_store %arg14[%swap3A_386, %swap3A_387], %swap3A_390 {strides = array<i32>} : memref<64x128xf32, #tpu.memory_space<vmem>>, vector<1x16xf32>,
      %mul3A_391 = arith.constant 128 : i32
      %mul3A_392 = arith.muli %scan3A_261, %mul3A_391 : i32
      %add3A_393 = arith.constant 96 : i32
      %add3A_394 = arith.addi %mul3A_392, %add3A_393 : i32
      %get3A_395 = arith.index_cast %add3A_394 : i32 to index
      %get3A_396 = tpu.vector_load %arg10[%get3A_395] {strides = array<i32>} : memref<8192xf32, #tpu.memory_space<vmem>>, vector<16xf32>,
      %get3A_397 = vector.shape_cast %get3A_396 : vector<16xf32> to vector<16xf32>
      %neg3A_398 = arith.constant 0.000000e+00 : f32
      %neg3A_399 = vector.broadcast %neg3A_398 : f32 to vector<16xf32>
      %neg3A_400 = arith.subf %neg3A_399, %get3A_397 : vector<16xf32>
      %exp3A_401 = math.exp %neg3A_400 : vector<16xf32>
      %add3A_402 = arith.constant 1.000000e+00 : f32
      %add3A_403 = vector.broadcast %add3A_402 : f32 to vector<16xf32>
      %add3A_404 = arith.addf %add3A_403, %exp3A_401 : vector<16xf32>
      %div3A_405 = arith.constant 1.000000e+00 : f32
      %div3A_406 = vector.broadcast %div3A_405 : f32 to vector<16xf32>
      %div3A_407 = arith.divf %div3A_406, %add3A_404 : vector<16xf32>
      %swap3A_408 = arith.index_cast %scan3A_261 : i32 to index
      %swap3A_409 = arith.constant 96 : index
      %swap3A_410 = tpu.vector_load %arg14[%swap3A_408, %swap3A_409] {strides = array<i32>} : memref<64x128xf32, #tpu.memory_space<vmem>>, vector<1x16xf32>,
      %swap3A_411 = vector.shape_cast %swap3A_410 : vector<1x16xf32> to vector<16xf32>
      %swap3A_412 = vector.shape_cast %div3A_407 : vector<16xf32> to vector<1x16xf32>
      tpu.vector_store %arg14[%swap3A_408, %swap3A_409], %swap3A_412 {strides = array<i32>} : memref<64x128xf32, #tpu.memory_space<vmem>>, vector<1x16xf32>,
      %mul3A_413 = arith.constant 128 : i32
      %mul3A_414 = arith.muli %scan3A_261, %mul3A_413 : i32
      %add3A_415 = arith.constant 112 : i32
      %add3A_416 = arith.addi %mul3A_414, %add3A_415 : i32
      %get3A_417 = arith.index_cast %add3A_416 : i32 to index
      %get3A_418 = tpu.vector_load %arg10[%get3A_417] {strides = array<i32>} : memref<8192xf32, #tpu.memory_space<vmem>>, vector<16xf32>,
      %get3A_419 = vector.shape_cast %get3A_418 : vector<16xf32> to vector<16xf32>
      %neg3A_420 = arith.constant 0.000000e+00 : f32
      %neg3A_421 = vector.broadcast %neg3A_420 : f32 to vector<16xf32>
      %neg3A_422 = arith.subf %neg3A_421, %get3A_419 : vector<16xf32>
      %exp3A_423 = math.exp %neg3A_422 : vector<16xf32>
      %add3A_424 = arith.constant 1.000000e+00 : f32
      %add3A_425 = vector.broadcast %add3A_424 : f32 to vector<16xf32>
      %add3A_426 = arith.addf %add3A_425, %exp3A_423 : vector<16xf32>
      %div3A_427 = arith.constant 1.000000e+00 : f32
      %div3A_428 = vector.broadcast %div3A_427 : f32 to vector<16xf32>
      %div3A_429 = arith.divf %div3A_428, %add3A_426 : vector<16xf32>
      %swap3A_430 = arith.index_cast %scan3A_261 : i32 to index
      %swap3A_431 = arith.constant 112 : index
      %swap3A_432 = tpu.vector_load %arg14[%swap3A_430, %swap3A_431] {strides = array<i32>} : memref<64x128xf32, #tpu.memory_space<vmem>>, vector<1x16xf32>,
      %swap3A_433 = vector.shape_cast %swap3A_432 : vector<1x16xf32> to vector<16xf32>
      %swap3A_434 = vector.shape_cast %div3A_429 : vector<16xf32> to vector<1x16xf32>
      tpu.vector_store %arg14[%swap3A_430, %swap3A_431], %swap3A_434 {strides = array<i32>} : memref<64x128xf32, #tpu.memory_space<vmem>>, vector<1x16xf32>,
      %dma_start3A_435 = arith.constant 0 : i32
      %dma_start3A_436 = tpu.memref_slice %arg14[%scan3A_261, %dma_start3A_435] : memref<64x128xf32, #tpu.memory_space<vmem>> -> memref<1x128xf32, #tpu.memory_space<vmem>>
      %dma_start3A_437 = tpu.memref_squeeze %dma_start3A_436 : memref<1x128xf32, #tpu.memory_space<vmem>> -> memref<128xf32, #tpu.memory_space<vmem>>
      %dma_start3A_438 = arith.constant 0 : i32
      %dma_start3A_439 = tpu.memref_slice %arg11[%scan3A_261, %dma_start3A_438] : memref<64x128xi32, #tpu.memory_space<vmem>> -> memref<1x128xi32, #tpu.memory_space<vmem>>
      %dma_start3A_440 = tpu.memref_squeeze %dma_start3A_439 : memref<1x128xi32, #tpu.memory_space<vmem>> -> memref<128xi32, #tpu.memory_space<vmem>>
      %dma_start3A_441 = arith.constant 0 : i32
      %dma_start3A_442 = tpu.memref_slice %arg17[%dma_start3A_441] : memref<4096xf32, #tpu.memory_space<vmem_shared>> -> memref<4096xf32, #tpu.memory_space<vmem_shared>>
      tpu.enqueue_indirect_dma source(%dma_start3A_437 : memref<128xf32, #tpu.memory_space<vmem>>) target(%dma_start3A_442 : memref<4096xf32, #tpu.memory_space<vmem_shared>>) offsets(%dma_start3A_440 : memref<128xi32, #tpu.memory_space<vmem>>) semaphore(%arg19 : memref<!tpu.dma_semaphore, #tpu.memory_space<semaphore_mem>>) {add = true}
      %ge3A = arith.constant 8 : i32
      %ge3A_443 = arith.cmpi sge, %scan3A_261, %ge3A : i32
      %convert_element_type3A = arith.extui %ge3A_443 : i1 to i32
      %cond3A = arith.constant 0 : i32
      %cond3A_444 = arith.cmpi ne, %convert_element_type3A, %cond3A : i32
      scf.if %cond3A_444 {
        %sub3A = arith.constant 8 : i32
        %sub3A_446 = arith.subi %scan3A_261, %sub3A : i32
        %dma_wait3A_447 = arith.constant 0 : i32
        %dma_wait3A_448 = tpu.memref_slice %arg14[%sub3A_446, %dma_wait3A_447] : memref<64x128xf32, #tpu.memory_space<vmem>> -> memref<1x128xf32, #tpu.memory_space<vmem>>
        %dma_wait3A_449 = tpu.memref_squeeze %dma_wait3A_448 : memref<1x128xf32, #tpu.memory_space<vmem>> -> memref<128xf32, #tpu.memory_space<vmem>>
        %dma_wait3A_450 = arith.constant 0 : i32
        %dma_wait3A_451 = tpu.memref_slice %arg11[%sub3A_446, %dma_wait3A_450] : memref<64x128xi32, #tpu.memory_space<vmem>> -> memref<1x128xi32, #tpu.memory_space<vmem>>
        %dma_wait3A_452 = tpu.memref_squeeze %dma_wait3A_451 : memref<1x128xi32, #tpu.memory_space<vmem>> -> memref<128xi32, #tpu.memory_space<vmem>>
        %dma_wait3A_453 = arith.constant 0 : i32
        %dma_wait3A_454 = tpu.memref_slice %arg17[%dma_wait3A_453] : memref<4096xf32, #tpu.memory_space<vmem_shared>> -> memref<4096xf32, #tpu.memory_space<vmem_shared>>
        tpu.wait_indirect_dma semaphore(%arg19 : memref<!tpu.dma_semaphore, #tpu.memory_space<semaphore_mem>>) src(%dma_wait3A_449 : memref<128xf32, #tpu.memory_space<vmem>>) dst(%dma_wait3A_454 : memref<4096xf32, #tpu.memory_space<vmem_shared>>)
      } else {
      }
      %scan3A_445 = arith.constant 0 : i32
      scf.yield %scan3A_445 : i32
    }
    %scan3A_140 = arith.constant 64 : i32
    %dma_wait3A_141 = arith.constant 56 : i32
    %dma_wait3A_142 = arith.constant 56 : i32
    %dma_wait3A_143 = arith.constant 0 : i32
    %dma_wait3A_144 = tpu.memref_slice %arg14[%dma_wait3A_141, %dma_wait3A_143] : memref<64x128xf32, #tpu.memory_space<vmem>> -> memref<1x128xf32, #tpu.memory_space<vmem>>
    %dma_wait3A_145 = tpu.memref_squeeze %dma_wait3A_144 : memref<1x128xf32, #tpu.memory_space<vmem>> -> memref<128xf32, #tpu.memory_space<vmem>>
    %dma_wait3A_146 = arith.constant 0 : i32
    %dma_wait3A_147 = tpu.memref_slice %arg11[%dma_wait3A_142, %dma_wait3A_146] : memref<64x128xi32, #tpu.memory_space<vmem>> -> memref<1x128xi32, #tpu.memory_space<vmem>>
    %dma_wait3A_148 = tpu.memref_squeeze %dma_wait3A_147 : memref<1x128xi32, #tpu.memory_space<vmem>> -> memref<128xi32, #tpu.memory_space<vmem>>
    %dma_wait3A_149 = arith.constant 0 : i32
    %dma_wait3A_150 = tpu.memref_slice %arg17[%dma_wait3A_149] : memref<4096xf32, #tpu.memory_space<vmem_shared>> -> memref<4096xf32, #tpu.memory_space<vmem_shared>>
    tpu.wait_indirect_dma semaphore(%arg19 : memref<!tpu.dma_semaphore, #tpu.memory_space<semaphore_mem>>) src(%dma_wait3A_145 : memref<128xf32, #tpu.memory_space<vmem>>) dst(%dma_wait3A_150 : memref<4096xf32, #tpu.memory_space<vmem_shared>>)
    %dma_wait3A_151 = arith.constant 57 : i32
    %dma_wait3A_152 = arith.constant 57 : i32
    %dma_wait3A_153 = arith.constant 0 : i32
    %dma_wait3A_154 = tpu.memref_slice %arg14[%dma_wait3A_151, %dma_wait3A_153] : memref<64x128xf32, #tpu.memory_space<vmem>> -> memref<1x128xf32, #tpu.memory_space<vmem>>
    %dma_wait3A_155 = tpu.memref_squeeze %dma_wait3A_154 : memref<1x128xf32, #tpu.memory_space<vmem>> -> memref<128xf32, #tpu.memory_space<vmem>>
    %dma_wait3A_156 = arith.constant 0 : i32
    %dma_wait3A_157 = tpu.memref_slice %arg11[%dma_wait3A_152, %dma_wait3A_156] : memref<64x128xi32, #tpu.memory_space<vmem>> -> memref<1x128xi32, #tpu.memory_space<vmem>>
    %dma_wait3A_158 = tpu.memref_squeeze %dma_wait3A_157 : memref<1x128xi32, #tpu.memory_space<vmem>> -> memref<128xi32, #tpu.memory_space<vmem>>
    %dma_wait3A_159 = arith.constant 0 : i32
    %dma_wait3A_160 = tpu.memref_slice %arg17[%dma_wait3A_159] : memref<4096xf32, #tpu.memory_space<vmem_shared>> -> memref<4096xf32, #tpu.memory_space<vmem_shared>>
    tpu.wait_indirect_dma semaphore(%arg19 : memref<!tpu.dma_semaphore, #tpu.memory_space<semaphore_mem>>) src(%dma_wait3A_155 : memref<128xf32, #tpu.memory_space<vmem>>) dst(%dma_wait3A_160 : memref<4096xf32, #tpu.memory_space<vmem_shared>>)
    %dma_wait3A_161 = arith.constant 58 : i32
    %dma_wait3A_162 = arith.constant 58 : i32
    %dma_wait3A_163 = arith.constant 0 : i32
    %dma_wait3A_164 = tpu.memref_slice %arg14[%dma_wait3A_161, %dma_wait3A_163] : memref<64x128xf32, #tpu.memory_space<vmem>> -> memref<1x128xf32, #tpu.memory_space<vmem>>
    %dma_wait3A_165 = tpu.memref_squeeze %dma_wait3A_164 : memref<1x128xf32, #tpu.memory_space<vmem>> -> memref<128xf32, #tpu.memory_space<vmem>>
    %dma_wait3A_166 = arith.constant 0 : i32
    %dma_wait3A_167 = tpu.memref_slice %arg11[%dma_wait3A_162, %dma_wait3A_166] : memref<64x128xi32, #tpu.memory_space<vmem>> -> memref<1x128xi32, #tpu.memory_space<vmem>>
    %dma_wait3A_168 = tpu.memref_squeeze %dma_wait3A_167 : memref<1x128xi32, #tpu.memory_space<vmem>> -> memref<128xi32, #tpu.memory_space<vmem>>
    %dma_wait3A_169 = arith.constant 0 : i32
    %dma_wait3A_170 = tpu.memref_slice %arg17[%dma_wait3A_169] : memref<4096xf32, #tpu.memory_space<vmem_shared>> -> memref<4096xf32, #tpu.memory_space<vmem_shared>>
    tpu.wait_indirect_dma semaphore(%arg19 : memref<!tpu.dma_semaphore, #tpu.memory_space<semaphore_mem>>) src(%dma_wait3A_165 : memref<128xf32, #tpu.memory_space<vmem>>) dst(%dma_wait3A_170 : memref<4096xf32, #tpu.memory_space<vmem_shared>>)
    %dma_wait3A_171 = arith.constant 59 : i32
    %dma_wait3A_172 = arith.constant 59 : i32
    %dma_wait3A_173 = arith.constant 0 : i32
    %dma_wait3A_174 = tpu.memref_slice %arg14[%dma_wait3A_171, %dma_wait3A_173] : memref<64x128xf32, #tpu.memory_space<vmem>> -> memref<1x128xf32, #tpu.memory_space<vmem>>
    %dma_wait3A_175 = tpu.memref_squeeze %dma_wait3A_174 : memref<1x128xf32, #tpu.memory_space<vmem>> -> memref<128xf32, #tpu.memory_space<vmem>>
    %dma_wait3A_176 = arith.constant 0 : i32
    %dma_wait3A_177 = tpu.memref_slice %arg11[%dma_wait3A_172, %dma_wait3A_176] : memref<64x128xi32, #tpu.memory_space<vmem>> -> memref<1x128xi32, #tpu.memory_space<vmem>>
    %dma_wait3A_178 = tpu.memref_squeeze %dma_wait3A_177 : memref<1x128xi32, #tpu.memory_space<vmem>> -> memref<128xi32, #tpu.memory_space<vmem>>
    %dma_wait3A_179 = arith.constant 0 : i32
    %dma_wait3A_180 = tpu.memref_slice %arg17[%dma_wait3A_179] : memref<4096xf32, #tpu.memory_space<vmem_shared>> -> memref<4096xf32, #tpu.memory_space<vmem_shared>>
    tpu.wait_indirect_dma semaphore(%arg19 : memref<!tpu.dma_semaphore, #tpu.memory_space<semaphore_mem>>) src(%dma_wait3A_175 : memref<128xf32, #tpu.memory_space<vmem>>) dst(%dma_wait3A_180 : memref<4096xf32, #tpu.memory_space<vmem_shared>>)
    %dma_wait3A_181 = arith.constant 60 : i32
    %dma_wait3A_182 = arith.constant 60 : i32
    %dma_wait3A_183 = arith.constant 0 : i32
    %dma_wait3A_184 = tpu.memref_slice %arg14[%dma_wait3A_181, %dma_wait3A_183] : memref<64x128xf32, #tpu.memory_space<vmem>> -> memref<1x128xf32, #tpu.memory_space<vmem>>
    %dma_wait3A_185 = tpu.memref_squeeze %dma_wait3A_184 : memref<1x128xf32, #tpu.memory_space<vmem>> -> memref<128xf32, #tpu.memory_space<vmem>>
    %dma_wait3A_186 = arith.constant 0 : i32
    %dma_wait3A_187 = tpu.memref_slice %arg11[%dma_wait3A_182, %dma_wait3A_186] : memref<64x128xi32, #tpu.memory_space<vmem>> -> memref<1x128xi32, #tpu.memory_space<vmem>>
    %dma_wait3A_188 = tpu.memref_squeeze %dma_wait3A_187 : memref<1x128xi32, #tpu.memory_space<vmem>> -> memref<128xi32, #tpu.memory_space<vmem>>
    %dma_wait3A_189 = arith.constant 0 : i32
    %dma_wait3A_190 = tpu.memref_slice %arg17[%dma_wait3A_189] : memref<4096xf32, #tpu.memory_space<vmem_shared>> -> memref<4096xf32, #tpu.memory_space<vmem_shared>>
    tpu.wait_indirect_dma semaphore(%arg19 : memref<!tpu.dma_semaphore, #tpu.memory_space<semaphore_mem>>) src(%dma_wait3A_185 : memref<128xf32, #tpu.memory_space<vmem>>) dst(%dma_wait3A_190 : memref<4096xf32, #tpu.memory_space<vmem_shared>>)
    %dma_wait3A_191 = arith.constant 61 : i32
    %dma_wait3A_192 = arith.constant 61 : i32
    %dma_wait3A_193 = arith.constant 0 : i32
    %dma_wait3A_194 = tpu.memref_slice %arg14[%dma_wait3A_191, %dma_wait3A_193] : memref<64x128xf32, #tpu.memory_space<vmem>> -> memref<1x128xf32, #tpu.memory_space<vmem>>
    %dma_wait3A_195 = tpu.memref_squeeze %dma_wait3A_194 : memref<1x128xf32, #tpu.memory_space<vmem>> -> memref<128xf32, #tpu.memory_space<vmem>>
    %dma_wait3A_196 = arith.constant 0 : i32
    %dma_wait3A_197 = tpu.memref_slice %arg11[%dma_wait3A_192, %dma_wait3A_196] : memref<64x128xi32, #tpu.memory_space<vmem>> -> memref<1x128xi32, #tpu.memory_space<vmem>>
    %dma_wait3A_198 = tpu.memref_squeeze %dma_wait3A_197 : memref<1x128xi32, #tpu.memory_space<vmem>> -> memref<128xi32, #tpu.memory_space<vmem>>
    %dma_wait3A_199 = arith.constant 0 : i32
    %dma_wait3A_200 = tpu.memref_slice %arg17[%dma_wait3A_199] : memref<4096xf32, #tpu.memory_space<vmem_shared>> -> memref<4096xf32, #tpu.memory_space<vmem_shared>>
    tpu.wait_indirect_dma semaphore(%arg19 : memref<!tpu.dma_semaphore, #tpu.memory_space<semaphore_mem>>) src(%dma_wait3A_195 : memref<128xf32, #tpu.memory_space<vmem>>) dst(%dma_wait3A_200 : memref<4096xf32, #tpu.memory_space<vmem_shared>>)
    %dma_wait3A_201 = arith.constant 62 : i32
    %dma_wait3A_202 = arith.constant 62 : i32
    %dma_wait3A_203 = arith.constant 0 : i32
    %dma_wait3A_204 = tpu.memref_slice %arg14[%dma_wait3A_201, %dma_wait3A_203] : memref<64x128xf32, #tpu.memory_space<vmem>> -> memref<1x128xf32, #tpu.memory_space<vmem>>
    %dma_wait3A_205 = tpu.memref_squeeze %dma_wait3A_204 : memref<1x128xf32, #tpu.memory_space<vmem>> -> memref<128xf32, #tpu.memory_space<vmem>>
    %dma_wait3A_206 = arith.constant 0 : i32
    %dma_wait3A_207 = tpu.memref_slice %arg11[%dma_wait3A_202, %dma_wait3A_206] : memref<64x128xi32, #tpu.memory_space<vmem>> -> memref<1x128xi32, #tpu.memory_space<vmem>>
    %dma_wait3A_208 = tpu.memref_squeeze %dma_wait3A_207 : memref<1x128xi32, #tpu.memory_space<vmem>> -> memref<128xi32, #tpu.memory_space<vmem>>
    %dma_wait3A_209 = arith.constant 0 : i32
    %dma_wait3A_210 = tpu.memref_slice %arg17[%dma_wait3A_209] : memref<4096xf32, #tpu.memory_space<vmem_shared>> -> memref<4096xf32, #tpu.memory_space<vmem_shared>>
    tpu.wait_indirect_dma semaphore(%arg19 : memref<!tpu.dma_semaphore, #tpu.memory_space<semaphore_mem>>) src(%dma_wait3A_205 : memref<128xf32, #tpu.memory_space<vmem>>) dst(%dma_wait3A_210 : memref<4096xf32, #tpu.memory_space<vmem_shared>>)
    %dma_wait3A_211 = arith.constant 63 : i32
    %dma_wait3A_212 = arith.constant 63 : i32
    %dma_wait3A_213 = arith.constant 0 : i32
    %dma_wait3A_214 = tpu.memref_slice %arg14[%dma_wait3A_211, %dma_wait3A_213] : memref<64x128xf32, #tpu.memory_space<vmem>> -> memref<1x128xf32, #tpu.memory_space<vmem>>
    %dma_wait3A_215 = tpu.memref_squeeze %dma_wait3A_214 : memref<1x128xf32, #tpu.memory_space<vmem>> -> memref<128xf32, #tpu.memory_space<vmem>>
    %dma_wait3A_216 = arith.constant 0 : i32
    %dma_wait3A_217 = tpu.memref_slice %arg11[%dma_wait3A_212, %dma_wait3A_216] : memref<64x128xi32, #tpu.memory_space<vmem>> -> memref<1x128xi32, #tpu.memory_space<vmem>>
    %dma_wait3A_218 = tpu.memref_squeeze %dma_wait3A_217 : memref<1x128xi32, #tpu.memory_space<vmem>> -> memref<128xi32, #tpu.memory_space<vmem>>
    %dma_wait3A_219 = arith.constant 0 : i32
    %dma_wait3A_220 = tpu.memref_slice %arg17[%dma_wait3A_219] : memref<4096xf32, #tpu.memory_space<vmem_shared>> -> memref<4096xf32, #tpu.memory_space<vmem_shared>>
    tpu.wait_indirect_dma semaphore(%arg19 : memref<!tpu.dma_semaphore, #tpu.memory_space<semaphore_mem>>) src(%dma_wait3A_215 : memref<128xf32, #tpu.memory_space<vmem>>) dst(%dma_wait3A_220 : memref<4096xf32, #tpu.memory_space<vmem_shared>>)
    %broadcast_in_dim3A_221 = arith.constant 0.000000e+00 : f32
    %broadcast_in_dim3A_222 = vector.broadcast %broadcast_in_dim3A_221 : f32 to vector<16xf32>
    %dma_wait3A_223 = arith.constant 0 : i32
    %dma_wait3A_224 = tpu.memref_slice %arg13[%dma_wait3A_223] : memref<8192xf32, #tpu.memory_space<vmem>> -> memref<4096xf32, #tpu.memory_space<vmem>>
    %dma_wait3A_225 = arith.constant 0 : i32
    %dma_wait3A_226 = tpu.memref_slice %arg12[%dma_wait3A_225] : memref<8192xi32, #tpu.memory_space<vmem>> -> memref<4096xi32, #tpu.memory_space<vmem>>
    %dma_wait3A_227 = arith.constant 0 : i32
    %dma_wait3A_228 = tpu.memref_slice %arg2[%dma_wait3A_227] : memref<16777216xf32, #tpu.memory_space<hbm>> -> memref<16777216xf32, #tpu.memory_space<hbm>>
    tpu.wait_indirect_dma semaphore(%arg20 : memref<!tpu.dma_semaphore, #tpu.memory_space<semaphore_mem>>) src(%dma_wait3A_228 : memref<16777216xf32, #tpu.memory_space<hbm>>) dst(%dma_wait3A_224 : memref<4096xf32, #tpu.memory_space<vmem>>)
    %scan3A_229 = arith.constant 0 : i32
    %scan3A_230 = arith.constant 32 : i32
    %scan3A_231 = arith.addi %scan3A_229, %scan3A_230 : i32
    %scan3A_232 = arith.constant 1 : i32
    %scan3A_233 = scf.for %scan3A_261 = %scan3A_229 to %scan3A_231 step %scan3A_232 iter_args(%scan3A_262 = %broadcast_in_dim3A_222) -> (vector<16xf32>)  : i32 {
      %get3A = arith.index_cast %scan3A_261 : i32 to index
      %get3A_263 = arith.constant 0 : index
      %get3A_264 = tpu.vector_load %arg14[%get3A, %get3A_263] {strides = array<i32>} : memref<64x128xf32, #tpu.memory_space<vmem>>, vector<1x16xf32>,
      %get3A_265 = vector.shape_cast %get3A_264 : vector<1x16xf32> to vector<16xf32>
      %mul3A_266 = arith.constant 128 : i32
      %mul3A_267 = arith.muli %scan3A_261, %mul3A_266 : i32
      %add3A_268 = arith.constant 0 : i32
      %add3A_269 = arith.addi %mul3A_267, %add3A_268 : i32
      %get3A_270 = arith.index_cast %add3A_269 : i32 to index
      %get3A_271 = tpu.vector_load %arg13[%get3A_270] {strides = array<i32>} : memref<8192xf32, #tpu.memory_space<vmem>>, vector<16xf32>,
      %get3A_272 = vector.shape_cast %get3A_271 : vector<16xf32> to vector<16xf32>
      %mul3A_273 = arith.mulf %get3A_265, %get3A_272 : vector<16xf32>
      %add3A_274 = arith.addf %scan3A_262, %mul3A_273 : vector<16xf32>
      %get3A_275 = arith.index_cast %scan3A_261 : i32 to index
      %get3A_276 = arith.constant 16 : index
      %get3A_277 = tpu.vector_load %arg14[%get3A_275, %get3A_276] {strides = array<i32>} : memref<64x128xf32, #tpu.memory_space<vmem>>, vector<1x16xf32>,
      %get3A_278 = vector.shape_cast %get3A_277 : vector<1x16xf32> to vector<16xf32>
      %mul3A_279 = arith.constant 128 : i32
      %mul3A_280 = arith.muli %scan3A_261, %mul3A_279 : i32
      %add3A_281 = arith.constant 16 : i32
      %add3A_282 = arith.addi %mul3A_280, %add3A_281 : i32
      %get3A_283 = arith.index_cast %add3A_282 : i32 to index
      %get3A_284 = tpu.vector_load %arg13[%get3A_283] {strides = array<i32>} : memref<8192xf32, #tpu.memory_space<vmem>>, vector<16xf32>,
      %get3A_285 = vector.shape_cast %get3A_284 : vector<16xf32> to vector<16xf32>
      %mul3A_286 = arith.mulf %get3A_278, %get3A_285 : vector<16xf32>
      %add3A_287 = arith.addf %add3A_274, %mul3A_286 : vector<16xf32>
      %get3A_288 = arith.index_cast %scan3A_261 : i32 to index
      %get3A_289 = arith.constant 32 : index
      %get3A_290 = tpu.vector_load %arg14[%get3A_288, %get3A_289] {strides = array<i32>} : memref<64x128xf32, #tpu.memory_space<vmem>>, vector<1x16xf32>,
      %get3A_291 = vector.shape_cast %get3A_290 : vector<1x16xf32> to vector<16xf32>
      %mul3A_292 = arith.constant 128 : i32
      %mul3A_293 = arith.muli %scan3A_261, %mul3A_292 : i32
      %add3A_294 = arith.constant 32 : i32
      %add3A_295 = arith.addi %mul3A_293, %add3A_294 : i32
      %get3A_296 = arith.index_cast %add3A_295 : i32 to index
      %get3A_297 = tpu.vector_load %arg13[%get3A_296] {strides = array<i32>} : memref<8192xf32, #tpu.memory_space<vmem>>, vector<16xf32>,
      %get3A_298 = vector.shape_cast %get3A_297 : vector<16xf32> to vector<16xf32>
      %mul3A_299 = arith.mulf %get3A_291, %get3A_298 : vector<16xf32>
      %add3A_300 = arith.addf %add3A_287, %mul3A_299 : vector<16xf32>
      %get3A_301 = arith.index_cast %scan3A_261 : i32 to index
      %get3A_302 = arith.constant 48 : index
      %get3A_303 = tpu.vector_load %arg14[%get3A_301, %get3A_302] {strides = array<i32>} : memref<64x128xf32, #tpu.memory_space<vmem>>, vector<1x16xf32>,
      %get3A_304 = vector.shape_cast %get3A_303 : vector<1x16xf32> to vector<16xf32>
      %mul3A_305 = arith.constant 128 : i32
      %mul3A_306 = arith.muli %scan3A_261, %mul3A_305 : i32
      %add3A_307 = arith.constant 48 : i32
      %add3A_308 = arith.addi %mul3A_306, %add3A_307 : i32
      %get3A_309 = arith.index_cast %add3A_308 : i32 to index
      %get3A_310 = tpu.vector_load %arg13[%get3A_309] {strides = array<i32>} : memref<8192xf32, #tpu.memory_space<vmem>>, vector<16xf32>,
      %get3A_311 = vector.shape_cast %get3A_310 : vector<16xf32> to vector<16xf32>
      %mul3A_312 = arith.mulf %get3A_304, %get3A_311 : vector<16xf32>
      %add3A_313 = arith.addf %add3A_300, %mul3A_312 : vector<16xf32>
      %get3A_314 = arith.index_cast %scan3A_261 : i32 to index
      %get3A_315 = arith.constant 64 : index
      %get3A_316 = tpu.vector_load %arg14[%get3A_314, %get3A_315] {strides = array<i32>} : memref<64x128xf32, #tpu.memory_space<vmem>>, vector<1x16xf32>,
      %get3A_317 = vector.shape_cast %get3A_316 : vector<1x16xf32> to vector<16xf32>
      %mul3A_318 = arith.constant 128 : i32
      %mul3A_319 = arith.muli %scan3A_261, %mul3A_318 : i32
      %add3A_320 = arith.constant 64 : i32
      %add3A_321 = arith.addi %mul3A_319, %add3A_320 : i32
      %get3A_322 = arith.index_cast %add3A_321 : i32 to index
      %get3A_323 = tpu.vector_load %arg13[%get3A_322] {strides = array<i32>} : memref<8192xf32, #tpu.memory_space<vmem>>, vector<16xf32>,
      %get3A_324 = vector.shape_cast %get3A_323 : vector<16xf32> to vector<16xf32>
      %mul3A_325 = arith.mulf %get3A_317, %get3A_324 : vector<16xf32>
      %add3A_326 = arith.addf %add3A_313, %mul3A_325 : vector<16xf32>
      %get3A_327 = arith.index_cast %scan3A_261 : i32 to index
      %get3A_328 = arith.constant 80 : index
      %get3A_329 = tpu.vector_load %arg14[%get3A_327, %get3A_328] {strides = array<i32>} : memref<64x128xf32, #tpu.memory_space<vmem>>, vector<1x16xf32>,
      %get3A_330 = vector.shape_cast %get3A_329 : vector<1x16xf32> to vector<16xf32>
      %mul3A_331 = arith.constant 128 : i32
      %mul3A_332 = arith.muli %scan3A_261, %mul3A_331 : i32
      %add3A_333 = arith.constant 80 : i32
      %add3A_334 = arith.addi %mul3A_332, %add3A_333 : i32
      %get3A_335 = arith.index_cast %add3A_334 : i32 to index
      %get3A_336 = tpu.vector_load %arg13[%get3A_335] {strides = array<i32>} : memref<8192xf32, #tpu.memory_space<vmem>>, vector<16xf32>,
      %get3A_337 = vector.shape_cast %get3A_336 : vector<16xf32> to vector<16xf32>
      %mul3A_338 = arith.mulf %get3A_330, %get3A_337 : vector<16xf32>
      %add3A_339 = arith.addf %add3A_326, %mul3A_338 : vector<16xf32>
      %get3A_340 = arith.index_cast %scan3A_261 : i32 to index
      %get3A_341 = arith.constant 96 : index
      %get3A_342 = tpu.vector_load %arg14[%get3A_340, %get3A_341] {strides = array<i32>} : memref<64x128xf32, #tpu.memory_space<vmem>>, vector<1x16xf32>,
      %get3A_343 = vector.shape_cast %get3A_342 : vector<1x16xf32> to vector<16xf32>
      %mul3A_344 = arith.constant 128 : i32
      %mul3A_345 = arith.muli %scan3A_261, %mul3A_344 : i32
      %add3A_346 = arith.constant 96 : i32
      %add3A_347 = arith.addi %mul3A_345, %add3A_346 : i32
      %get3A_348 = arith.index_cast %add3A_347 : i32 to index
      %get3A_349 = tpu.vector_load %arg13[%get3A_348] {strides = array<i32>} : memref<8192xf32, #tpu.memory_space<vmem>>, vector<16xf32>,
      %get3A_350 = vector.shape_cast %get3A_349 : vector<16xf32> to vector<16xf32>
      %mul3A_351 = arith.mulf %get3A_343, %get3A_350 : vector<16xf32>
      %add3A_352 = arith.addf %add3A_339, %mul3A_351 : vector<16xf32>
      %get3A_353 = arith.index_cast %scan3A_261 : i32 to index
      %get3A_354 = arith.constant 112 : index
      %get3A_355 = tpu.vector_load %arg14[%get3A_353, %get3A_354] {strides = array<i32>} : memref<64x128xf32, #tpu.memory_space<vmem>>, vector<1x16xf32>,
      %get3A_356 = vector.shape_cast %get3A_355 : vector<1x16xf32> to vector<16xf32>
      %mul3A_357 = arith.constant 128 : i32
      %mul3A_358 = arith.muli %scan3A_261, %mul3A_357 : i32
      %add3A_359 = arith.constant 112 : i32
      %add3A_360 = arith.addi %mul3A_358, %add3A_359 : i32
      %get3A_361 = arith.index_cast %add3A_360 : i32 to index
      %get3A_362 = tpu.vector_load %arg13[%get3A_361] {strides = array<i32>} : memref<8192xf32, #tpu.memory_space<vmem>>, vector<16xf32>,
      %get3A_363 = vector.shape_cast %get3A_362 : vector<16xf32> to vector<16xf32>
      %mul3A_364 = arith.mulf %get3A_356, %get3A_363 : vector<16xf32>
      %add3A_365 = arith.addf %add3A_352, %mul3A_364 : vector<16xf32>
      scf.yield %add3A_365 : vector<16xf32>
    }
    %scan3A_234 = arith.constant 32 : i32
    %dma_wait3A_235 = arith.constant 4096 : i32
    %dma_wait3A_236 = tpu.memref_slice %arg13[%dma_wait3A_235] : memref<8192xf32, #tpu.memory_space<vmem>> -> memref<4096xf32, #tpu.memory_space<vmem>>
    %dma_wait3A_237 = arith.constant 4096 : i32
    %dma_wait3A_238 = tpu.memref_slice %arg12[%dma_wait3A_237] : memref<8192xi32, #tpu.memory_space<vmem>> -> memref<4096xi32, #tpu.memory_space<vmem>>
    %dma_wait3A_239 = arith.constant 0 : i32
    %dma_wait3A_240 = tpu.memref_slice %arg2[%dma_wait3A_239] : memref<16777216xf32, #tpu.memory_space<hbm>> -> memref<16777216xf32, #tpu.memory_space<hbm>>
    tpu.wait_indirect_dma semaphore(%arg21 : memref<!tpu.dma_semaphore, #tpu.memory_space<semaphore_mem>>) src(%dma_wait3A_240 : memref<16777216xf32, #tpu.memory_space<hbm>>) dst(%dma_wait3A_236 : memref<4096xf32, #tpu.memory_space<vmem>>)
    %scan3A_241 = arith.constant 32 : i32
    %scan3A_242 = arith.constant 32 : i32
    %scan3A_243 = arith.addi %scan3A_241, %scan3A_242 : i32
    %scan3A_244 = arith.constant 1 : i32
    %scan3A_245 = scf.for %scan3A_261 = %scan3A_241 to %scan3A_243 step %scan3A_244 iter_args(%scan3A_262 = %scan3A_233) -> (vector<16xf32>)  : i32 {
      %get3A = arith.index_cast %scan3A_261 : i32 to index
      %get3A_263 = arith.constant 0 : index
      %get3A_264 = tpu.vector_load %arg14[%get3A, %get3A_263] {strides = array<i32>} : memref<64x128xf32, #tpu.memory_space<vmem>>, vector<1x16xf32>,
      %get3A_265 = vector.shape_cast %get3A_264 : vector<1x16xf32> to vector<16xf32>
      %mul3A_266 = arith.constant 128 : i32
      %mul3A_267 = arith.muli %scan3A_261, %mul3A_266 : i32
      %add3A_268 = arith.constant 0 : i32
      %add3A_269 = arith.addi %mul3A_267, %add3A_268 : i32
      %get3A_270 = arith.index_cast %add3A_269 : i32 to index
      %get3A_271 = tpu.vector_load %arg13[%get3A_270] {strides = array<i32>} : memref<8192xf32, #tpu.memory_space<vmem>>, vector<16xf32>,
      %get3A_272 = vector.shape_cast %get3A_271 : vector<16xf32> to vector<16xf32>
      %mul3A_273 = arith.mulf %get3A_265, %get3A_272 : vector<16xf32>
      %add3A_274 = arith.addf %scan3A_262, %mul3A_273 : vector<16xf32>
      %get3A_275 = arith.index_cast %scan3A_261 : i32 to index
      %get3A_276 = arith.constant 16 : index
      %get3A_277 = tpu.vector_load %arg14[%get3A_275, %get3A_276] {strides = array<i32>} : memref<64x128xf32, #tpu.memory_space<vmem>>, vector<1x16xf32>,
      %get3A_278 = vector.shape_cast %get3A_277 : vector<1x16xf32> to vector<16xf32>
      %mul3A_279 = arith.constant 128 : i32
      %mul3A_280 = arith.muli %scan3A_261, %mul3A_279 : i32
      %add3A_281 = arith.constant 16 : i32
      %add3A_282 = arith.addi %mul3A_280, %add3A_281 : i32
      %get3A_283 = arith.index_cast %add3A_282 : i32 to index
      %get3A_284 = tpu.vector_load %arg13[%get3A_283] {strides = array<i32>} : memref<8192xf32, #tpu.memory_space<vmem>>, vector<16xf32>,
      %get3A_285 = vector.shape_cast %get3A_284 : vector<16xf32> to vector<16xf32>
      %mul3A_286 = arith.mulf %get3A_278, %get3A_285 : vector<16xf32>
      %add3A_287 = arith.addf %add3A_274, %mul3A_286 : vector<16xf32>
      %get3A_288 = arith.index_cast %scan3A_261 : i32 to index
      %get3A_289 = arith.constant 32 : index
      %get3A_290 = tpu.vector_load %arg14[%get3A_288, %get3A_289] {strides = array<i32>} : memref<64x128xf32, #tpu.memory_space<vmem>>, vector<1x16xf32>,
      %get3A_291 = vector.shape_cast %get3A_290 : vector<1x16xf32> to vector<16xf32>
      %mul3A_292 = arith.constant 128 : i32
      %mul3A_293 = arith.muli %scan3A_261, %mul3A_292 : i32
      %add3A_294 = arith.constant 32 : i32
      %add3A_295 = arith.addi %mul3A_293, %add3A_294 : i32
      %get3A_296 = arith.index_cast %add3A_295 : i32 to index
      %get3A_297 = tpu.vector_load %arg13[%get3A_296] {strides = array<i32>} : memref<8192xf32, #tpu.memory_space<vmem>>, vector<16xf32>,
      %get3A_298 = vector.shape_cast %get3A_297 : vector<16xf32> to vector<16xf32>
      %mul3A_299 = arith.mulf %get3A_291, %get3A_298 : vector<16xf32>
      %add3A_300 = arith.addf %add3A_287, %mul3A_299 : vector<16xf32>
      %get3A_301 = arith.index_cast %scan3A_261 : i32 to index
      %get3A_302 = arith.constant 48 : index
      %get3A_303 = tpu.vector_load %arg14[%get3A_301, %get3A_302] {strides = array<i32>} : memref<64x128xf32, #tpu.memory_space<vmem>>, vector<1x16xf32>,
      %get3A_304 = vector.shape_cast %get3A_303 : vector<1x16xf32> to vector<16xf32>
      %mul3A_305 = arith.constant 128 : i32
      %mul3A_306 = arith.muli %scan3A_261, %mul3A_305 : i32
      %add3A_307 = arith.constant 48 : i32
      %add3A_308 = arith.addi %mul3A_306, %add3A_307 : i32
      %get3A_309 = arith.index_cast %add3A_308 : i32 to index
      %get3A_310 = tpu.vector_load %arg13[%get3A_309] {strides = array<i32>} : memref<8192xf32, #tpu.memory_space<vmem>>, vector<16xf32>,
      %get3A_311 = vector.shape_cast %get3A_310 : vector<16xf32> to vector<16xf32>
      %mul3A_312 = arith.mulf %get3A_304, %get3A_311 : vector<16xf32>
      %add3A_313 = arith.addf %add3A_300, %mul3A_312 : vector<16xf32>
      %get3A_314 = arith.index_cast %scan3A_261 : i32 to index
      %get3A_315 = arith.constant 64 : index
      %get3A_316 = tpu.vector_load %arg14[%get3A_314, %get3A_315] {strides = array<i32>} : memref<64x128xf32, #tpu.memory_space<vmem>>, vector<1x16xf32>,
      %get3A_317 = vector.shape_cast %get3A_316 : vector<1x16xf32> to vector<16xf32>
      %mul3A_318 = arith.constant 128 : i32
      %mul3A_319 = arith.muli %scan3A_261, %mul3A_318 : i32
      %add3A_320 = arith.constant 64 : i32
      %add3A_321 = arith.addi %mul3A_319, %add3A_320 : i32
      %get3A_322 = arith.index_cast %add3A_321 : i32 to index
      %get3A_323 = tpu.vector_load %arg13[%get3A_322] {strides = array<i32>} : memref<8192xf32, #tpu.memory_space<vmem>>, vector<16xf32>,
      %get3A_324 = vector.shape_cast %get3A_323 : vector<16xf32> to vector<16xf32>
      %mul3A_325 = arith.mulf %get3A_317, %get3A_324 : vector<16xf32>
      %add3A_326 = arith.addf %add3A_313, %mul3A_325 : vector<16xf32>
      %get3A_327 = arith.index_cast %scan3A_261 : i32 to index
      %get3A_328 = arith.constant 80 : index
      %get3A_329 = tpu.vector_load %arg14[%get3A_327, %get3A_328] {strides = array<i32>} : memref<64x128xf32, #tpu.memory_space<vmem>>, vector<1x16xf32>,
      %get3A_330 = vector.shape_cast %get3A_329 : vector<1x16xf32> to vector<16xf32>
      %mul3A_331 = arith.constant 128 : i32
      %mul3A_332 = arith.muli %scan3A_261, %mul3A_331 : i32
      %add3A_333 = arith.constant 80 : i32
      %add3A_334 = arith.addi %mul3A_332, %add3A_333 : i32
      %get3A_335 = arith.index_cast %add3A_334 : i32 to index
      %get3A_336 = tpu.vector_load %arg13[%get3A_335] {strides = array<i32>} : memref<8192xf32, #tpu.memory_space<vmem>>, vector<16xf32>,
      %get3A_337 = vector.shape_cast %get3A_336 : vector<16xf32> to vector<16xf32>
      %mul3A_338 = arith.mulf %get3A_330, %get3A_337 : vector<16xf32>
      %add3A_339 = arith.addf %add3A_326, %mul3A_338 : vector<16xf32>
      %get3A_340 = arith.index_cast %scan3A_261 : i32 to index
      %get3A_341 = arith.constant 96 : index
      %get3A_342 = tpu.vector_load %arg14[%get3A_340, %get3A_341] {strides = array<i32>} : memref<64x128xf32, #tpu.memory_space<vmem>>, vector<1x16xf32>,
      %get3A_343 = vector.shape_cast %get3A_342 : vector<1x16xf32> to vector<16xf32>
      %mul3A_344 = arith.constant 128 : i32
      %mul3A_345 = arith.muli %scan3A_261, %mul3A_344 : i32
      %add3A_346 = arith.constant 96 : i32
      %add3A_347 = arith.addi %mul3A_345, %add3A_346 : i32
      %get3A_348 = arith.index_cast %add3A_347 : i32 to index
      %get3A_349 = tpu.vector_load %arg13[%get3A_348] {strides = array<i32>} : memref<8192xf32, #tpu.memory_space<vmem>>, vector<16xf32>,
      %get3A_350 = vector.shape_cast %get3A_349 : vector<16xf32> to vector<16xf32>
      %mul3A_351 = arith.mulf %get3A_343, %get3A_350 : vector<16xf32>
      %add3A_352 = arith.addf %add3A_339, %mul3A_351 : vector<16xf32>
      %get3A_353 = arith.index_cast %scan3A_261 : i32 to index
      %get3A_354 = arith.constant 112 : index
      %get3A_355 = tpu.vector_load %arg14[%get3A_353, %get3A_354] {strides = array<i32>} : memref<64x128xf32, #tpu.memory_space<vmem>>, vector<1x16xf32>,
      %get3A_356 = vector.shape_cast %get3A_355 : vector<1x16xf32> to vector<16xf32>
      %mul3A_357 = arith.constant 128 : i32
      %mul3A_358 = arith.muli %scan3A_261, %mul3A_357 : i32
      %add3A_359 = arith.constant 112 : i32
      %add3A_360 = arith.addi %mul3A_358, %add3A_359 : i32
      %get3A_361 = arith.index_cast %add3A_360 : i32 to index
      %get3A_362 = tpu.vector_load %arg13[%get3A_361] {strides = array<i32>} : memref<8192xf32, #tpu.memory_space<vmem>>, vector<16xf32>,
      %get3A_363 = vector.shape_cast %get3A_362 : vector<16xf32> to vector<16xf32>
      %mul3A_364 = arith.mulf %get3A_356, %get3A_363 : vector<16xf32>
      %add3A_365 = arith.addf %add3A_352, %mul3A_364 : vector<16xf32>
      scf.yield %add3A_365 : vector<16xf32>
    }
    %scan3A_246 = arith.constant 32 : i32
    %swap3A_247 = arith.constant 0 : index
    %swap3A_248 = tpu.vector_load %arg15[%swap3A_247] {strides = array<i32>} : memref<16xf32, #tpu.memory_space<vmem>>, vector<16xf32>,
    %swap3A_249 = vector.shape_cast %swap3A_248 : vector<16xf32> to vector<16xf32>
    %swap3A_250 = vector.shape_cast %scan3A_245 : vector<16xf32> to vector<16xf32>
    tpu.vector_store %arg15[%swap3A_247], %swap3A_250 {strides = array<i32>} : memref<16xf32, #tpu.memory_space<vmem>>, vector<16xf32>,
    %mul3A_251 = arith.constant 16 : i32
    %mul3A_252 = arith.muli %add3A, %mul3A_251 : i32
    "tpu.region"() ({
      %run_scoped3A = tpu.sem_alloc : memref<!tpu.dma_semaphore, #tpu.memory_space<semaphore_mem>>
      %dma_start3A_261 = tpu.memref_slice %arg7[%mul3A_252] : memref<512xf32, #tpu.memory_space<hbm>> -> memref<16xf32, #tpu.memory_space<hbm>>
      %dma_start3A_262 = tpu.memref_slice %arg7[%mul3A_252] : memref<512xf32, #tpu.memory_space<hbm>> -> memref<16xf32, #tpu.memory_space<hbm>>
      tpu.enqueue_dma source(%arg15 : memref<16xf32, #tpu.memory_space<vmem>>) target(%dma_start3A_262 : memref<16xf32, #tpu.memory_space<hbm>>) target_semaphore(%run_scoped3A : memref<!tpu.dma_semaphore, #tpu.memory_space<semaphore_mem>>)
      %dma_wait3A_263 = tpu.memref_slice %arg7[%mul3A_252] : memref<512xf32, #tpu.memory_space<hbm>> -> memref<16xf32, #tpu.memory_space<hbm>>
      %dma_wait3A_264 = tpu.memref_slice %arg7[%mul3A_252] : memref<512xf32, #tpu.memory_space<hbm>> -> memref<16xf32, #tpu.memory_space<hbm>>
      tpu.wait_dma2 semaphore(%run_scoped3A : memref<!tpu.dma_semaphore, #tpu.memory_space<semaphore_mem>>) src(%arg15 : memref<16xf32, #tpu.memory_space<vmem>>) dst(%dma_wait3A_264 : memref<16xf32, #tpu.memory_space<hbm>>)
      tpu.yield
    }) : () -> ()
    %barrier3A_253 = arith.constant 0 : index
    tpu.barrier barrier_id(%barrier3A_253)
    %mul3A_254 = arith.constant 256 : i32
    %mul3A_255 = arith.muli %arg1, %mul3A_254 : i32
    %mul3A_256 = arith.constant 4096 : i32
    %mul3A_257 = arith.muli %arg0, %mul3A_256 : i32
    %mul3A_258 = arith.constant 256 : i32
    %mul3A_259 = arith.muli %arg1, %mul3A_258 : i32
    %add3A_260 = arith.addi %mul3A_257, %mul3A_259 : i32
    "tpu.region"() ({
      %run_scoped3A = tpu.sem_alloc : memref<!tpu.dma_semaphore, #tpu.memory_space<semaphore_mem>>
      %dma_start3A_261 = tpu.memref_slice %arg6[%add3A_260] : memref<8192xf32, #tpu.memory_space<hbm>> -> memref<256xf32, #tpu.memory_space<hbm>>
      %dma_start3A_262 = tpu.memref_slice %arg17[%mul3A_255] : memref<4096xf32, #tpu.memory_space<vmem_shared>> -> memref<256xf32, #tpu.memory_space<vmem_shared>>
      tpu.enqueue_dma source(%dma_start3A_262 : memref<256xf32, #tpu.memory_space<vmem_shared>>) target(%dma_start3A_261 : memref<256xf32, #tpu.memory_space<hbm>>) target_semaphore(%run_scoped3A : memref<!tpu.dma_semaphore, #tpu.memory_space<semaphore_mem>>)
      %dma_wait3A_263 = tpu.memref_slice %arg6[%add3A_260] : memref<8192xf32, #tpu.memory_space<hbm>> -> memref<256xf32, #tpu.memory_space<hbm>>
      %dma_wait3A_264 = tpu.memref_slice %arg17[%mul3A_255] : memref<4096xf32, #tpu.memory_space<vmem_shared>> -> memref<256xf32, #tpu.memory_space<vmem_shared>>
      tpu.wait_dma2 semaphore(%run_scoped3A : memref<!tpu.dma_semaphore, #tpu.memory_space<semaphore_mem>>) src(%dma_wait3A_264 : memref<256xf32, #tpu.memory_space<vmem_shared>>) dst(%dma_wait3A_263 : memref<256xf32, #tpu.memory_space<hbm>>)
      tpu.yield
    }) : () -> ()
    return
  }
}

module attributes {stable_mosaic.version = 14 : i64} {
  func.func @_tc_reduce(%arg0: memref<8192xf32, #tpu.memory_space<vmem>>, %arg1: memref<512xf32, #tpu.memory_space<vmem>>, %arg2: memref<1x1xf32, #tpu.memory_space<smem>>) attributes {dimension_semantics = [], scalar_prefetch = 0 : i64, scratch_operands = 0 : i64, tpu.core_type = #tpu.core_type<tc>} {
    %get3A = arith.constant 0 : index
    %get3A_0 = vector.load %arg0[%get3A] : memref<8192xf32, #tpu.memory_space<vmem>>, vector<4096xf32>
    %get3A_1 = arith.constant 4096 : index
    %get3A_2 = vector.load %arg0[%get3A_1] : memref<8192xf32, #tpu.memory_space<vmem>>, vector<4096xf32>
    %add3A = arith.addf %get3A_0, %get3A_2 : vector<4096xf32>
    %sub3A = arith.constant 2.000000e+00 : f32
    %sub3A_3 = vector.broadcast %sub3A : f32 to vector<4096xf32>
    %sub3A_4 = arith.subf %add3A, %sub3A_3 : vector<4096xf32>
    %mul3A = arith.mulf %sub3A_4, %sub3A_4 : vector<4096xf32>
    %reduce_sum3A = vector.shape_cast %mul3A : vector<4096xf32> to vector<1x4096xf32>
    %reduce_sum3A_5 = arith.constant dense<0.000000e+00> : vector<1xf32>
    %reduce_sum3A_6 = vector.multi_reduction <add>, %reduce_sum3A, %reduce_sum3A_5 [1] : vector<1x4096xf32> to vector<1xf32>
    %reduce_sum3A_7 = vector.shape_cast %reduce_sum3A_6 : vector<1xf32> to vector<1x1xf32>
    %reduce_sum3A_8 = vector.extract %reduce_sum3A_7[0, 0] : f32 from vector<1x1xf32>
    %mul3A_9 = arith.constant 2.44140625E-4 : f32
    %mul3A_10 = arith.mulf %reduce_sum3A_8, %mul3A_9 : f32
    %get3A_11 = arith.constant 0 : index
    %get3A_12 = vector.load %arg1[%get3A_11] : memref<512xf32, #tpu.memory_space<vmem>>, vector<512xf32>
    %reduce_sum3A_13 = vector.shape_cast %get3A_12 : vector<512xf32> to vector<1x512xf32>
    %reduce_sum3A_14 = arith.constant dense<0.000000e+00> : vector<1xf32>
    %reduce_sum3A_15 = vector.multi_reduction <add>, %reduce_sum3A_13, %reduce_sum3A_14 [1] : vector<1x512xf32> to vector<1xf32>
    %reduce_sum3A_16 = vector.shape_cast %reduce_sum3A_15 : vector<1xf32> to vector<1x1xf32>
    %reduce_sum3A_17 = vector.extract %reduce_sum3A_16[0, 0] : f32 from vector<1x1xf32>
    %mul3A_18 = arith.constant 2.000000e+00 : f32
    %mul3A_19 = arith.mulf %mul3A_18, %mul3A_10 : f32
    %add3A_20 = arith.addf %reduce_sum3A_17, %mul3A_19 : f32
    %swap3A = arith.constant 0 : index
    %swap3A_21 = arith.constant 0 : index
    %swap3A_22 = memref.load %arg2[%swap3A, %swap3A_21] : memref<1x1xf32, #tpu.memory_space<smem>>
    memref.store %add3A_20, %arg2[%swap3A, %swap3A_21] : memref<1x1xf32, #tpu.memory_space<smem>>
    return
  }
}

</mosaic_0001>

<sc_bundles>
// kernel: kernel.4.cloned.1.call-start
scs
__scs_entry_jumppad:
0x0: {  	(pc) =	sbr.rel $0x88, $3  }
0x1: {  	(tag) =	ssettag $0x0;
	lr =	simm.s32 $0x1  }
0x2: {  	[smem:$0x3F9E] =	sst lr;
	_ =	strace $0xD0000000  }
0x3: {  	_ = 	snop  }
0x4: {  	_ = 	snop  }
0x5: {  	_ = 	snop  }
0x6: {  	_ = 	snop  }
0x7: {  	_ = 	snop  }
__scs_overlays_trampoline_lowered:
0x8: {  	[smem:$0x3FAD] =	sst s0  }
0x9: {  	[smem:$0x3FAE] =	sst s1  }
0xa: {  	[smem:$0x3FAF] =	sst s2  }
0xb: {  	[smem:$0x3FB0] =	sst s3  }
0xc: {  	[smem:$0x3FB1] =	sst s4  }
0xd: {  	[smem:$0x3FB2] =	sst s5  }
0xe: {  	[smem:$0x3FB3] =	sst s6  }
0xf: {  	[smem:$0x3FB4] =	sst s7  }
0x10: {  	[smem:$0x3FB5] =	sst s8  }
0x11: {  	[smem:$0x3FB6] =	sst s9;
	s0 =	simm.s32 @!p0 $0x0  }
0x12: {  	s1 =	sld [smem:$0x3F9C];
	s0 =	simm.s32 @p0 $0x1  }
0x13: {  	[smem:$0x3FB7] =	sst s0;
	s0 =	simm.s32 @!p1 $0x0  }
0x14: {  	s2 =	sld [smem:$0x3F9B];
	s0 =	simm.s32 @p1 $0x1  }
0x15: {  	[smem:$0x3FB8] =	sst s0;
	s0 =	simm.s32 @!p2 $0x0  }
0x16: {  	s3 =	sld [smem:$0x3FDB];
	s0 =	simm.s32 @p2 $0x1  }
0x17: {  	s4 =	simm.s32 $0x1BF5;
	[smem:$0x3FBA] =	sst s0  }
0x18: {  	s0 =	sld [smem:$0x3F9D];
	_ =	swait.ge [sflag:s4], $0x0  }
0x19: {  	s7 =	sld [smem:$0x3F9E]  }
0x1a: {  	s8 =	sadd.s32 $0xFFFFE003, lr  }
0x1b: {  	s9 =	sadd.s32 $0xFFFFFEF7, lr;
	s5 =	simm.s32 $0xFFFFFFFF;
	p2 =	slt.u32 s8, $0xFFFFF086  }
0x1c: {  	p1 =	slt.u32 s9, $0xF7A;
	s5 =	simm.s32 @!p2 $0x0  }
0x1d: {  	s5 =	simm.s32 @p1 $0x1;
	p0 =	seq.s32 s7, s2  }
0x1e: {  	s7 =	smul.u32 @!p0 $0xF7A, s2;
	p2 =	seq.s32 @!p0 s5, $0x0  }
0x1f: {  	s9 =	smul.u32 $0xF7A, s1;
	s8 =	simm.s32 @!p0 $0x1BF5;
	p2 =	por !p2, p0  }
0x20: {  	[sflag:s8] =	ssyncset.s32 @!p0 $0xFFFFF086;
	s6 =	sadd.s32 @!p0 s3, s7;
	s7 =	simm.s32 @!p0 $0x108  }
0x21: {  	s3 =	sadd.s32 s3, s9;
	s6 =	sadd.s32 @!p0 $0x88, s6;
	s7 =	simm.s32 @p2 $0x1082  }
0x22: {  	[simem:s7], [sflag:s8] =	dma.local @!p0 [hbm:s6], $0xF7A  }
0x23: {  	s9 =	sor.u32 $0xD0000000, s2;
	s6 =	simm.s32 $0x108;
	_ =	swait.ge @!p0 [sflag:s8], $0x0  }
0x24: {  	s3 =	sadd.s32 $0x88, s3;
	s6 =	simm.s32 @!p1 $0x1082;
	[sflag:s4] =	ssyncset.s32 $0xFFFFF086  }
0x25: {  	[simem:s6], [sflag:s4] =	dma.local [hbm:s3], $0xF7A  }
0x26: {  	[smem:$0x3F9E] =	sst s1;
	(tag) =	ssettag s2;
	_ =	strace s9  }
0x27: {  	s1 =	sld [smem:$0x3FAE]  }
0x28: {  	s2 =	sld [smem:$0x3FAF]  }
0x29: {  	s4 =	sld [smem:$0x3FB1]  }
0x2a: {  	p0 =	seq.s32 s5, $0x0;
	s5 =	sld [smem:$0x3FB2]  }
0x2b: {  	s6 =	sld [smem:$0x3FB3]  }
0x2c: {  	s7 =	sld [smem:$0x3FB4]  }
0x2d: {  	s3 =	simm.s32 $0x108;
	s8 =	sld [smem:$0x3FB5]  }
0x2e: {  	s3 =	simm.s32 @!p0 $0x1082;
	s9 =	sld [smem:$0x3FB6]  }
0x2f: {  	lr =	sadd.s32 s0, s3;
	s0 =	sld [smem:$0x3FAD]  }
0x30: {  	s3 =	sld [smem:$0x3FB0]  }
0x31: {  	[smem:$0x3FB9] =	sst s10  }
0x32: {  	s10 =	sld [smem:$0x3FB7];
	_ =	sdelay $0x3  }
0x33: {  	p0 =	seq.s32 s10, $0x1;
	s10 =	sld [smem:$0x3FB9];
	_ =	sdelay $0x3  }
0x34: {  	[smem:$0x3FB9] =	sst s10  }
0x35: {  	s10 =	sld [smem:$0x3FB8];
	_ =	sdelay $0x3  }
0x36: {  	p1 =	seq.s32 s10, $0x1;
	s10 =	sld [smem:$0x3FB9];
	_ =	sdelay $0x3  }
0x37: {  	[smem:$0x3FB9] =	sst s10  }
0x38: {  	s10 =	sld [smem:$0x3FBA]  }
0x39: {  	_ = 	snop;
	(pc) =	sbr.ind lr, $3  }
0x3a: {  	_ = 	snop  }
0x3b: {  	_ = 	snop  }
0x3c: {  	p2 =	seq.s32 s10, $0x1;
	s10 =	sld [smem:$0x3FB9]  }
0x3d: {  	_ =	shalt  }
0x3e: {  	_ =	shalt  }
0x3f: {  	_ =	shalt  }
0x40: {  	_ =	shalt  }
0x41: {  	_ =	shalt  }
0x42: {  	_ =	shalt  }
0x43: {  	_ =	shalt  }
0x44: {  	_ =	shalt  }
0x45: {  	_ =	shalt  }
0x46: {  	_ =	shalt  }
0x47: {  	_ =	shalt  }
0x48: {  	_ =	shalt  }
0x49: {  	_ =	shalt  }
0x4a: {  	_ =	shalt  }
0x4b: {  	_ =	shalt  }
0x4c: {  	_ =	shalt  }
0x4d: {  	_ =	shalt  }
0x4e: {  	_ =	shalt  }
0x4f: {  	_ =	shalt  }
0x50: {  	_ =	shalt  }
0x51: {  	_ =	shalt  }
0x52: {  	_ =	shalt  }
0x53: {  	_ =	shalt  }
0x54: {  	_ =	shalt  }
0x55: {  	_ =	shalt  }
0x56: {  	_ =	shalt  }
0x57: {  	_ =	shalt  }
0x58: {  	_ =	shalt  }
0x59: {  	_ =	shalt  }
0x5a: {  	_ =	shalt  }
0x5b: {  	_ =	shalt  }
0x5c: {  	_ =	shalt  }
0x5d: {  	_ =	shalt  }
0x5e: {  	_ =	shalt  }
0x5f: {  	_ =	shalt  }
0x60: {  	_ =	shalt  }
0x61: {  	_ =	shalt  }
0x62: {  	_ =	shalt  }
0x63: {  	_ =	shalt  }
0x64: {  	_ =	shalt  }
0x65: {  	_ =	shalt  }
0x66: {  	_ =	shalt  }
0x67: {  	_ =	shalt  }
0x68: {  	_ =	shalt  }
0x69: {  	_ =	shalt  }
0x6a: {  	_ =	shalt  }
0x6b: {  	_ =	shalt  }
0x6c: {  	_ =	shalt  }
0x6d: {  	_ =	shalt  }
0x6e: {  	_ =	shalt  }
0x6f: {  	_ =	shalt  }
0x70: {  	_ =	shalt  }
0x71: {  	_ =	shalt  }
0x72: {  	_ =	shalt  }
0x73: {  	_ =	shalt  }
0x74: {  	_ =	shalt  }
0x75: {  	_ =	shalt  }
0x76: {  	_ =	shalt  }
0x77: {  	_ =	shalt  }
0x78: {  	_ =	shalt  }
0x79: {  	_ =	shalt  }
0x7a: {  	_ =	shalt  }
0x7b: {  	_ =	shalt  }
0x7c: {  	_ =	shalt  }
0x7d: {  	_ =	shalt  }
0x7e: {  	_ =	shalt  }
0x7f: {  	_ =	shalt  }
0x80: {  	_ =	shalt  }
0x81: {  	_ =	shalt  }
0x82: {  	_ =	shalt  }
0x83: {  	_ =	shalt  }
0x84: {  	_ =	shalt  }
0x85: {  	_ =	shalt  }
0x86: {  	_ =	shalt  }
0x87: {  	_ =	shalt  }
.Lfunc_end0:
.L_simem_size_0:
called_computation_lowered:
.L_overlay_start_0:
0x88: {  	s2 =	sld [smem:$0x3FD9]  }
0x89: {  	s3 =	sld [smem:$0x3FFE];
	_ =	sdelay $0x1  }
0x8a: {  	s1 =	srdreg.scid  }
0x8b: {  	s0 =	sand.u32 $0x1, s1  }
0x8c: {  	s17 =	sshll.u32 s0, $0xA;
	s2 =	sadd.s32 s3, s2  }
0x8d: {  	s2 =	sadd.s32 s2, s17  }
0x8e: {  	[smem:$0x3FC5] =	sst s2  }
0x8f: {  	_ = 	snop  }
0x90: {  	s2 =	sld [smem:$0x3FC9]  }
0x91: {  	s18 =	sld [smem:$0x3FC8];
	(tm) =	ssettm $0x1  }
0x92: {  	s4 =	sld [smem:$0x3FFB];
	_ =	sdelay $0x3  }
0x93: {  	_ =	strace s4  }
0x94: {  	s4 =	sld [smem:$0x3FFC];
	_ =	sdelay $0x3  }
0x95: {  	_ =	strace s4  }
0x96: {  	s4 =	sld [smem:$0x3FFD];
	_ =	sdelay $0x3  }
0x97: {  	_ =	strace s4  }
0x98: {  	_ =	strace $0x8FFFFFFF  }
0x99: {  	s19 =	sld [smem:$0x3FDB];
	_ =	sdelay $0x1  }
0x9a: {  	s5 =	simm.s32 $_scs_section_size  }
0x9b: {  	s6 =	simm.s32 $_size__tile_overlayer_lowered;
	s7 =	simm.s32 $_tile_overlayer_lowered  }
0x9c: {  	s22 =	simm.s32 $0x1BFF;
	s21 =	sshll.u32 s7, $0x1;
	s4 =	sadd.s32 s5, s19  }
0x9d: {  	s8 =	simm.s32 $0x0;
	s20 =	sshll.u32 s6, $0x1;
	s6 =	sadd.s32 s21, s4  }
0x9e: {  	[timem:s8], [sflag:s22] =	dma.local [hbm:s6], s20  }
0x9f: {  	_ =	swait.ge [sflag:s22], s20  }
0xa0: {  	s5 =	ssub.s32 $0x0, s20;
	[sflag:s22] =	ssyncset.done $0x0  }
0xa1: {  	[sflag:s22] =	ssyncadd.s32 s5;
	_ =	sdelay $0x1  }
0xa2: {  	s23 =	simm.s32 $0x1B8B  }
0xa3: {  	_ =	swait.ge [sflag:s23], $0x1  }
0xa4: {  	[sflag:s23] =	ssyncset.done $0x0  }
0xa5: {  	s25 =	simm.s32 $0x1B8E;
	s24 =	sld [smem:$0x3FFE];
	[sflag:s23] =	ssyncadd.s32 $0xFFFFFFFF  }
0xa6: {  	s26 =	simm.s32 $execute0_lowered;
	[smem:$0x3FD2] =	sst s25  }
0xa7: {  	s6 =	sshll.u32 s26, $0x1;
	_ =	strace $0x80000046;
	[dreg:$0x1] =	wrdreg $0xFFFFFFFF  }
0xa8: {  	s28 =	simm.s32 $_size_execute0_lowered;
	s4 =	sadd.s32 s4, s6;
	[dreg:$0x0] =	wrdreg $0x0  }
0xa9: {  	s6 =	sshll.u32 s28, $0x1;
	[dreg:$0x2] =	wrdreg s4  }
0xaa: {  	[dreg:$0x3] =	wrdreg s6  }
0xab: {  	[dreg:$0x4] =	wrdreg $0xC0  }
0xac: {  	_ =	task [dreg:s8], $0x5FFFF  }
0xad: {  	[dreg:$0x1] =	wrdreg $0xFFFFFFFF  }
0xae: {  	[dreg:$0x0] =	wrdreg $0x60  }
0xaf: {  	[dreg:$0x2] =	wrdreg s18  }
0xb0: {  	[dreg:$0x3] =	wrdreg s24  }
0xb1: {  	[dreg:$0x4] =	wrdreg s2  }
0xb2: {  	[dreg:$0x5] =	wrdreg $0xE1800  }
0xb3: {  	[dreg:$0x6] =	wrdreg $0x9  }
0xb4: {  	_ =	task.clear_ibuf [dreg:s8], $0x7FFFF;
	_ =	strace $0x90000046  }
0xb5: {  	s29 =	simm.s32 $0x9;
	_ =	strace $0x80000048  }
0xb6: {  	_ =	swait.ge [sflag:s29], $0x1  }
0xb7: {  	[sflag:s29] =	ssyncadd.s32 $0xFFFFFFFF  }
0xb8: {  	_ =	strace $0x90000048  }
0xb9: {  	_ =	sfence  }
0xba: {  	s30 =	sld [smem:$0x0];
	_ =	sdelay $0x2  }
0xbb: {  	s31 =	sshll.u32 s1, $0xD;
	s1 =	sshrl.u32 s1, $0x2  }
0xbc: {  	s3 =	sand.u32 $0x4000, s31;
	s1 =	sadd.s32 s1, s30  }
0xbd: {  	s0 =	sor.u32 s3, s0;
	s1 =	sshll.u32 s1, $0x11  }
0xbe: {  	s0 =	sor.u32 s1, s0  }
0xbf: {  	s0 =	sadd.s32 $0x8F2B, s0  }
0xc0: {  	[sflag:s0] =	ssyncadd.remote.s32 $0x1  }
0xc1: {  	_ =	sfence.sel $0xFFFF  }
0xc2: {  	[dreg:$0x0] =	wrdreg $0xFFFFFFFF;
	(pc) =	sbr.abs _section_cstart, $3  }
0xc3: {  	[dreg:$0x1] =	wrdreg $0xFFFFFFFF  }
0xc4: {  	_ =	task.clear_ibuf [dreg:s8], $0x2FFFF;
	_ =	strace $0x9FFFFFFF  }
0xc5: {  	(tm) =	ssettm $0x7FFFFFFF  }
tec
execute0_lowered:
.L_overlay_start_1:
0x0: {  	(tag) =	ssettag $0x1  }
0x1: {  	s1 =	rddreg [dreg:$0x0]  }
0x2: {  	s0 =	rddreg [dreg:$0x1]  }
0x3: {  	s7 =	rddreg [dreg:$0x2]  }
0x4: {  	s3 =	rddreg [dreg:$0x3]  }
0x5: {  	s5 =	srdreg.scid;
	s2 =	stileid.u32  }
0x6: {  	s4 =	simm.s32 $0x0;
	s14 =	simm.s32 $0x1;
	s15 =	simm.s32 $0xE080  }
0x7: {  	s16 =	simm.s32 $0x5;
	s17 =	simm.s32 $0x1000;
	s18 =	simm.s32 $0x8000  }
0x8: {  	s19 =	simm.s32 $0xA000;
	s20 =	simm.s32 $0x9000;
	s21 =	simm.s32 $0xB000  }
0x9: {  	s22 =	simm.s32 $0x80;
	s23 =	simm.s32 $0x2;
	s24 =	simm.s32 $0x3  }
0xa: {  	s25 =	simm.s32 $0x4;
	s26 =	simm.s32 $0xE000;
	s28 =	simm.s32 $0x0  }
0xb: {  	s5 =	sand.u32 $0x1, s5;
	s6 =	sshll.u32 s2, $0x1;
	[smem:$0x7FF] =	sst s4  }
0xc: {  	s9 =	sshll.u32 s2, $0x8;
	s6 =	sor.u32 s5, s6;
	s10 =	sshll.u32 s5, $0xC  }
0xd: {  	_ =	strace $0x80000047;
	s5 =	ssub.s32 $0x2, s5;
	s8 =	sshll.u32 s6, $0xA  }
0xe: {  	s10 =	sor.u32 s9, s10;
	s6 =	sshll.u32 s6, $0x1;
	s31 =	sshrl.u32 s5, $0x1  }
0xf: {  	s11 =	sadd.s32 s8, s0;
	s10 =	sshrl.u32 s10, $0x3;
	s12 =	ssub.s32 s5, s31  }
0x10: {  	s7 =	sadd.s32 s7, s8;
	s8 =	sadd.s32 s9, s3;
	s10 =	sadd.s32 s10, s0  }
0x11: {  	s0 =	sadd.s32 s6, s0;
	s5 =	sadd.s32 $0x8E00, s11;
	s6 =	sadd.s32 $0xE00, s11  }
0x12: {  	v0 =	vimm.f32 $0.0e+00;
	s11 =	smax.u32 s12, $0x1;
	s9 =	sadd.s32 $0x11200, s0;
	s10 =	sadd.s32 $0x10E00, s10  }
.LBB2_1:
0x13: {  	[tilespmem:s4], [sflag:$0x1] =	stream.linear.gather [hbm4b:s5+s4], $0x2000, $0x38;
	[tilespmem:$0xE280] =	vst v63  }
0x14: {  	s0 =	simm.s32 $0x2000  }
0x15: {  	[tilespmem:s0], [sflag:$0x1] =	stream.linear.gather [hbm4b:s6+s4], $0x2000, $0x38;
	[tilespmem:$0xE280] =	vst v63  }
0x16: {  	s31 =	simm.s32 $0x4000  }
0x17: {  	[tilespmem:s31], [sflag:$0x1] =	stream.linear.gather [hbm4b:s7+s4], $0x2000, $0x38;
	[tilespmem:$0xE280] =	vst v63  }
0x18: {  	[tilespmem:$0xE080] =	vst v0  }
0x19: {  	[tilespmem:$0xE090] =	vst v0  }
0x1a: {  	[tilespmem:$0xE0A0] =	vst v0  }
0x1b: {  	[tilespmem:$0xE0B0] =	vst v0  }
0x1c: {  	[tilespmem:$0xE0C0] =	vst v0  }
0x1d: {  	[tilespmem:$0xE0D0] =	vst v0  }
0x1e: {  	[tilespmem:$0xE0E0] =	vst v0  }
0x1f: {  	[tilespmem:$0xE0F0] =	vst v0  }
0x20: {  	[tilespmem:$0xE100] =	vst v0  }
0x21: {  	[tilespmem:$0xE110] =	vst v0  }
0x22: {  	[tilespmem:$0xE120] =	vst v0  }
0x23: {  	[tilespmem:$0xE130] =	vst v0  }
0x24: {  	[tilespmem:$0xE140] =	vst v0  }
0x25: {  	[tilespmem:$0xE150] =	vst v0  }
0x26: {  	[tilespmem:$0xE160] =	vst v0  }
0x27: {  	[tilespmem:$0xE170] =	vst v0  }
0x28: {  	_ =	swait.ge [sflag:s14], $0x2000  }
0x29: {  	[sflag:s14] =	ssyncset.done $0x0  }
0x2a: {  	[sflag:s14] =	ssyncadd.s32 $0xFFFFE000  }
0x2b: {  	_ =	swait.ge [sflag:s14], $0x2000  }
0x2c: {  	[sflag:s14] =	ssyncset.done $0x0  }
0x2d: {  	[sflag:s14] =	ssyncadd.s32 $0xFFFFE000  }
0x2e: {  	_ =	swait.ge [sflag:s14], $0x2000  }
0x2f: {  	[sflag:s14] =	ssyncset.done $0x0  }
0x30: {  	[sflag:s14] =	ssyncadd.s32 $0xFFFFE000  }
0x31: {  	[spmem:s8] =	stream.linear.scatter [tilespmem:s15], [sflag:$0x5], $0x100, $0x38;
	[tilespmem:$0xE280] =	vst v63  }
0x32: {  	_ =	swait.ge [sflag:s16], $0x100  }
0x33: {  	[sflag:s16] =	ssyncset.done $0x0  }
0x34: {  	[sflag:s16] =	ssyncadd.s32 $0xFFFFFF00  }
0x35: {  	s0 =	simm.s32 $0x0;
	[bflag:$0x0] =	sbarrier.arrive $0xFFFF  }
0x36: {  	v3 =	vld [tilespmem:s0+$0x70]  }
0x37: {  	v6 =	vld [tilespmem:s0+$0x2070]  }
0x38: {  	v8 =	vld [tilespmem:s0+$0x0]  }
0x39: {  	v1 =	vld [tilespmem:s0+$0x2000]  }
0x3a: {  	v9 =	vld [tilespmem:s0+$0x10]  }
0x3b: {  	v2 =	vld [tilespmem:s0+$0x2010]  }
0x3c: {  	v10 =	vld [tilespmem:s0+$0x20]  }
0x3d: {  	v4 =	vld [tilespmem:s0+$0x2020]  }
0x3e: {  	v12 =	vld [tilespmem:s0+$0x30]  }
0x3f: {  	v16 =	vld [tilespmem:s0+$0x50]  }
0x40: {  	v22 =	vld [tilespmem:s0+$0x60];
	v5 =	vshll.u32 v3, $0xC;
	v7 =	vshll.u32 v6, $0x3  }
0x41: {  	v11 =	vshll.u32 v3, $0x7;
	v6 =	vand.u32 $0x7F, v6;
	v13 =	vshll.u32 v1, $0x3  }
0x42: {  	v14 =	vshll.u32 v9, $0xC;
	v15 =	vshll.u32 v2, $0x3;
	v18 =	vshll.u32 v10, $0xC  }
0x43: {  	v19 =	vshll.u32 v4, $0x3;
	v20 =	vshll.u32 v12, $0xC;
	[tilespmem:s0+$0x6020] =	vst v10;
	v21 =	vshll.u32 v8, $0x7  }
0x44: {  	v23 =	vshll.u32 v9, $0x7;
	[tilespmem:s0+$0x6030] =	vst v12;
	v10 =	vshll.u32 v10, $0x7;
	v12 =	vshll.u32 v12, $0x7  }
0x45: {  	v26 =	vshll.u32 v16, $0xC;
	v29 =	vshll.u32 v22, $0x7;
	v5 =	vand.u32 $0xFFFF8000, v5  }
0x46: {  	v7 =	vand.u32 $0xFFFFFC00, v7;
	v11 =	vand.u32 $0x380, v11;
	v13 =	vand.u32 $0xFFFFFC00, v13  }
0x47: {  	v14 =	vand.u32 $0xFFFF8000, v14;
	v15 =	vand.u32 $0xFFFFFC00, v15;
	v7 =	vadd.s32 v5, v7;
	v5 =	vld [tilespmem:s0+$0x2030]  }
0x48: {  	v18 =	vand.u32 $0xFFFF8000, v18;
	v19 =	vand.u32 $0xFFFFFC00, v19;
	v20 =	vand.u32 $0xFFFF8000, v20  }
0x49: {  	v26 =	vand.u32 $0xFFFF8000, v26;
	v21 =	vand.u32 $0x380, v21;
	v7 =	vor.u32 v11, v7;
	v11 =	vld [tilespmem:s0+$0x40]  }
0x4a: {  	v10 =	vand.u32 $0x380, v10;
	v12 =	vand.u32 $0x380, v12;
	v7 =	vor.u32 v6, v7  }
0x4b: {  	v14 =	vadd.s32 v14, v15;
	v15 =	vshll.u32 v16, $0x7;
	v6 =	vld [tilespmem:s0+$0x2040];
	[tilespmem:s0+$0x8070] =	vst v7;
	v7 =	vshll.u32 v8, $0xC  }
0x4c: {  	[tilespmem:s0+$0x6000] =	vst v8;
	v18 =	vadd.s32 v18, v19;
	v17 =	vand.u32 $0xFFFF8000, v7;
	v7 =	vld [tilespmem:s0+$0x2050];
	v8 =	vshll.u32 v5, $0x3  }
0x4d: {  	[tilespmem:s0+$0x6010] =	vst v9;
	v63 =	vand.u32 $0x380, v15;
	v13 =	vadd.s32 v17, v13;
	v9 =	vand.u32 $0xFFFFFC00, v8;
	v8 =	vld [tilespmem:s0+$0x2060]  }
0x4e: {  	[tilespmem:s0+$0x6050] =	vst v16;
	v17 =	vshll.u32 v22, $0xC;
	v24 =	vshll.u32 v11, $0xC;
	v27 =	vshll.u32 v11, $0x7  }
0x4f: {  	v17 =	vand.u32 $0xFFFF8000, v17;
	[tilespmem:s0+$0x6040] =	vst v11;
	v11 =	vand.u32 $0x380, v29;
	v16 =	vor.u32 v21, v13  }
0x50: {  	v13 =	vor.u32 v10, v18;
	v24 =	vand.u32 $0xFFFF8000, v24;
	v25 =	vshll.u32 v6, $0x3  }
0x51: {  	v20 =	vadd.s32 v20, v9;
	v62 =	vand.u32 $0x380, v27;
	v28 =	vshll.u32 v7, $0x3  }
0x52: {  	v25 =	vand.u32 $0xFFFFFC00, v25;
	v28 =	vand.u32 $0xFFFFFC00, v28;
	v19 =	vshll.u32 v8, $0x3  }
0x53: {  	[tilespmem:s0+$0x6070] =	vst v3;
	v61 =	vadd.s32 v26, v28;
	v9 =	vand.u32 $0xFFFFFC00, v19;
	v19 =	vadd.s32 v24, v25  }
0x54: {  	s12 =	simm.s32 $0x80;
	[tilespmem:s0+$0x6060] =	vst v22;
	v10 =	vor.u32 v63, v61;
	v9 =	vadd.s32 v17, v9;
	v17 =	vand.u32 $0x380, v23  }
0x55: {  	s29 =	simm.s32 $0x400;
	v3 =	vld [tilespmem:s12+$0x70];
	v15 =	vor.u32 v17, v14;
	v14 =	vor.u32 v12, v20;
	v12 =	vor.u32 v62, v19  }
.LBB2_2:
0x56: {  	p0 =	sne.s32 s29, $0x3E00;
	v17 =	vld [tilespmem:s12+$0x2070];
	v18 =	vand.u32 $0x7F, v1;
	v2 =	vand.u32 $0x7F, v2;
	v9 =	vor.u32 v11, v9  }
0x57: {  	v4 =	vand.u32 $0x7F, v4;
	v5 =	vand.u32 $0x7F, v5;
	v6 =	vand.u32 $0x7F, v6;
	v11 =	vld [tilespmem:s12+$0x0]  }
0x58: {  	v7 =	vand.u32 $0x7F, v7;
	v8 =	vand.u32 $0x7F, v8;
	v16 =	vor.u32 v18, v16;
	v1 =	vld [tilespmem:s12+$0x2000]  }
0x59: {  	v15 =	vor.u32 v2, v15;
	v4 =	vor.u32 v4, v13;
	v5 =	vor.u32 v5, v14;
	v18 =	vld [tilespmem:s12+$0x10];
	[tilespmem:s0+$0x8000] =	vst v16  }
0x5a: {  	v6 =	vor.u32 v6, v12;
	v7 =	vor.u32 v7, v10;
	v8 =	vor.u32 v8, v9;
	v2 =	vld [tilespmem:s12+$0x2010];
	[tilespmem:s0+$0x8010] =	vst v15  }
0x5b: {  	v10 =	vshll.u32 v3, $0xC;
	v9 =	vld [tilespmem:s12+$0x20];
	v12 =	vshll.u32 v17, $0x3;
	[tilespmem:s0+$0x8020] =	vst v4  }
0x5c: {  	v13 =	vshll.u32 v3, $0x7;
	v10 =	vand.u32 $0xFFFF8000, v10;
	v4 =	vld [tilespmem:s12+$0x2020];
	v12 =	vand.u32 $0xFFFFFC00, v12;
	[tilespmem:s0+$0x8030] =	vst v5  }
0x5d: {  	v14 =	vshll.u32 v11, $0xC;
	v15 =	vld [tilespmem:s12+$0x30];
	v10 =	vadd.s32 v10, v12;
	v12 =	vand.u32 $0x380, v13;
	[tilespmem:s0+$0x8040] =	vst v6  }
0x5e: {  	v6 =	vshll.u32 v1, $0x3;
	v5 =	vld [tilespmem:s12+$0x2030];
	v10 =	vor.u32 v12, v10;
	v12 =	vand.u32 $0x7F, v17;
	[tilespmem:s0+$0x8050] =	vst v7  }
0x5f: {  	v7 =	vshll.u32 v18, $0xC;
	v13 =	vshll.u32 v2, $0x3;
	v16 =	vld [tilespmem:s12+$0x40];
	v10 =	vor.u32 v12, v10;
	[tilespmem:s0+$0x8060] =	vst v8;
	s0 =	smov.u32 s12  }
0x60: {  	v12 =	vand.u32 $0xFFFF8000, v14;
	v14 =	vand.u32 $0xFFFFFC00, v6;
	v8 =	vshll.u32 v9, $0xC;
	v6 =	vld [tilespmem:s0+$0x2040];
	[tilespmem:s0+$0x8070] =	vst v10  }
0x61: {  	v10 =	vand.u32 $0xFFFF8000, v7;
	v13 =	vand.u32 $0xFFFFFC00, v13;
	[tilespmem:s0+$0x6000] =	vst v11;
	v7 =	vshll.u32 v4, $0x3;
	v17 =	vld [tilespmem:s0+$0x50]  }
0x62: {  	v19 =	vand.u32 $0xFFFF8000, v8;
	[tilespmem:s0+$0x6010] =	vst v18;
	v20 =	vand.u32 $0xFFFFFC00, v7;
	v8 =	vshll.u32 v15, $0xC;
	v7 =	vld [tilespmem:s0+$0x2050]  }
0x63: {  	v11 =	vshll.u32 v11, $0x7;
	[tilespmem:s0+$0x6020] =	vst v9;
	v21 =	vand.u32 $0xFFFF8000, v8;
	v8 =	vshll.u32 v5, $0x3;
	v22 =	vld [tilespmem:s0+$0x60]  }
0x64: {  	v18 =	vshll.u32 v18, $0x7;
	v23 =	vand.u32 $0xFFFFFC00, v8;
	[tilespmem:s0+$0x6030] =	vst v15;
	v24 =	vshll.u32 v16, $0xC;
	v8 =	vld [tilespmem:s0+$0x2060]  }
0x65: {  	v25 =	vshll.u32 v9, $0x7;
	v9 =	vand.u32 $0xFFFF8000, v24;
	v24 =	vshll.u32 v6, $0x3;
	[tilespmem:s0+$0x6040] =	vst v16  }
0x66: {  	v15 =	vshll.u32 v15, $0x7;
	v24 =	vand.u32 $0xFFFFFC00, v24;
	v26 =	vshll.u32 v17, $0xC;
	[tilespmem:s0+$0x6050] =	vst v17  }
0x67: {  	v16 =	vshll.u32 v16, $0x7;
	v26 =	vand.u32 $0xFFFF8000, v26;
	v27 =	vshll.u32 v7, $0x3;
	[tilespmem:s0+$0x6070] =	vst v3  }
0x68: {  	v17 =	vshll.u32 v17, $0x7;
	v3 =	vand.u32 $0xFFFFFC00, v27;
	v27 =	vshll.u32 v22, $0xC;
	[tilespmem:s0+$0x6060] =	vst v22  }
0x69: {  	v22 =	vshll.u32 v22, $0x7;
	v27 =	vand.u32 $0xFFFF8000, v27;
	v28 =	vshll.u32 v8, $0x3  }
0x6a: {  	v12 =	vadd.s32 v12, v14;
	v10 =	vadd.s32 v10, v13;
	v13 =	vand.u32 $0xFFFFFC00, v28  }
0x6b: {  	v14 =	vadd.s32 v19, v20;
	v19 =	vadd.s32 v21, v23;
	v20 =	vadd.s32 v9, v24  }
.Ltmp0:
0x6c: {  	v21 =	vand.u32 $0x380, v11;
	v23 =	vadd.s32 v26, v3;
	v9 =	vadd.s32 v27, v13;
	(pc) =	sbr.rel @p0 .LBB2_2-.Ltmp0, $4  }
0x6d: {  	v3 =	vand.u32 $0x380, v18;
	v18 =	vand.u32 $0x380, v15;
	v13 =	vand.u32 $0x380, v25  }
0x6e: {  	v24 =	vand.u32 $0x380, v16;
	v17 =	vand.u32 $0x380, v17;
	v11 =	vand.u32 $0x380, v22  }
0x6f: {  	s12 =	sshra.s32 s29, $0x2;
	v16 =	vor.u32 v21, v12;
	v15 =	vor.u32 v3, v10;
	v13 =	vor.u32 v13, v14  }
0x70: {  	s29 =	sadd.s32 $0x200, s29;
	v12 =	vor.u32 v24, v20;
	v10 =	vor.u32 v17, v23;
	v14 =	vor.u32 v18, v19;
	v3 =	vld [tilespmem:s12+$0x70]  }
0x71: {  	v17 =	vld [tilespmem:s12+$0x2070]  }
0x72: {  	v18 =	vld [tilespmem:s12+$0x0];
	v1 =	vand.u32 $0x7F, v1  }
0x73: {  	v19 =	vld [tilespmem:s12+$0x2000];
	v2 =	vand.u32 $0x7F, v2;
	v1 =	vor.u32 v1, v16  }
0x74: {  	v4 =	vand.u32 $0x7F, v4;
	v16 =	vld [tilespmem:s12+$0x10];
	[tilespmem:s0+$0x8000] =	vst v1;
	v1 =	vor.u32 v2, v15  }
0x75: {  	v5 =	vand.u32 $0x7F, v5;
	v2 =	vld [tilespmem:s12+$0x2010];
	[tilespmem:s0+$0x8010] =	vst v1;
	v1 =	vor.u32 v4, v13  }
0x76: {  	v6 =	vand.u32 $0x7F, v6;
	v9 =	vor.u32 v11, v9;
	v4 =	vld [tilespmem:s12+$0x20];
	[tilespmem:s0+$0x8020] =	vst v1;
	v1 =	vor.u32 v5, v14  }
0x77: {  	v7 =	vand.u32 $0x7F, v7;
	v8 =	vand.u32 $0x7F, v8;
	v5 =	vld [tilespmem:s12+$0x2020];
	[tilespmem:s0+$0x8030] =	vst v1;
	v1 =	vor.u32 v6, v12  }
0x78: {  	v6 =	vld [tilespmem:s12+$0x30];
	[tilespmem:s0+$0x8040] =	vst v1;
	v1 =	vor.u32 v7, v10;
	v7 =	vshll.u32 v3, $0xC;
	v10 =	vshll.u32 v17, $0x3  }
0x79: {  	v12 =	vshll.u32 v3, $0x7;
	v7 =	vand.u32 $0xFFFF8000, v7;
	v10 =	vand.u32 $0xFFFFFC00, v10  }
0x7a: {  	v11 =	vld [tilespmem:s12+$0x2030];
	[tilespmem:s0+$0x8050] =	vst v1;
	v1 =	vor.u32 v8, v9;
	v8 =	vand.u32 $0x380, v12;
	v7 =	vadd.s32 v7, v10  }
0x7b: {  	v10 =	vshll.u32 v16, $0xC;
	v13 =	vshll.u32 v2, $0x3;
	v2 =	vand.u32 $0x7F, v2  }
0x7c: {  	v9 =	vld [tilespmem:s12+$0x40];
	[tilespmem:s0+$0x8060] =	vst v1;
	v7 =	vor.u32 v8, v7;
	v8 =	vand.u32 $0x7F, v17;
	v14 =	vshll.u32 v4, $0xC  }
0x7d: {  	[tilespmem:s12+$0x6010] =	vst v16;
	v10 =	vand.u32 $0xFFFF8000, v10;
	v13 =	vand.u32 $0xFFFFFC00, v13;
	v16 =	vshll.u32 v16, $0x7  }
0x7e: {  	[tilespmem:s12+$0x6020] =	vst v4;
	v4 =	vshll.u32 v4, $0x7;
	v1 =	vor.u32 v8, v7;
	v8 =	vshll.u32 v19, $0x3  }
0x7f: {  	v15 =	vshll.u32 v5, $0x3;
	v14 =	vand.u32 $0xFFFF8000, v14;
	v10 =	vadd.s32 v10, v13  }
0x80: {  	v12 =	vld [tilespmem:s12+$0x50];
	v4 =	vand.u32 $0x380, v4;
	v5 =	vand.u32 $0x7F, v5;
	[tilespmem:s12+$0x8070] =	vst v1;
	v1 =	vshll.u32 v18, $0xC  }
0x81: {  	[tilespmem:s12+$0x6000] =	vst v18;
	v17 =	vld [tilespmem:s12+$0x2050];
	v8 =	vand.u32 $0xFFFFFC00, v8;
	v15 =	vand.u32 $0xFFFFFC00, v15;
	v20 =	vshll.u32 v6, $0xC  }
0x82: {  	v22 =	vld [tilespmem:s12+$0x60];
	v18 =	vshll.u32 v18, $0x7;
	[tilespmem:s12+$0x6030] =	vst v6;
	v6 =	vshll.u32 v6, $0x7;
	v1 =	vand.u32 $0xFFFF8000, v1  }
0x83: {  	v24 =	vld [tilespmem:s12+$0x2060];
	v21 =	vshll.u32 v11, $0x3;
	v20 =	vand.u32 $0xFFFF8000, v20;
	v14 =	vadd.s32 v14, v15  }
0x84: {  	v18 =	vand.u32 $0x380, v18;
	v6 =	vand.u32 $0x380, v6;
	v21 =	vand.u32 $0xFFFFFC00, v21  }
0x85: {  	v7 =	vld [tilespmem:s12+$0x2040];
	v23 =	vshll.u32 v9, $0xC;
	v27 =	vshll.u32 v9, $0x7;
	v1 =	vadd.s32 v1, v8  }
0x86: {  	v4 =	vor.u32 v4, v14;
	v23 =	vand.u32 $0xFFFF8000, v23;
	v26 =	vshll.u32 v12, $0xC  }
0x87: {  	v28 =	vshll.u32 v17, $0x3;
	v8 =	vshll.u32 v12, $0x7;
	v13 =	vshll.u32 v22, $0xC  }
0x88: {  	v15 =	vshll.u32 v24, $0x3;
	v20 =	vadd.s32 v20, v21;
	v51 =	vshll.u32 v22, $0x7  }
0x89: {  	[tilespmem:s12+$0x6050] =	vst v12;
	v12 =	vand.u32 $0x380, v27;
	v1 =	vor.u32 v18, v1;
	v4 =	vor.u32 v5, v4  }
0x8a: {  	v25 =	vshll.u32 v7, $0x3;
	v26 =	vand.u32 $0xFFFF8000, v26;
	v28 =	vand.u32 $0xFFFFFC00, v28  }
0x8b: {  	[tilespmem:s12+$0x6070] =	vst v3;
	v13 =	vand.u32 $0xFFFF8000, v13;
	v15 =	vand.u32 $0xFFFFFC00, v15;
	v8 =	vand.u32 $0x380, v8  }
0x8c: {  	[tilespmem:s12+$0x6040] =	vst v9;
	v3 =	vand.u32 $0x380, v51;
	v5 =	vand.u32 $0x7F, v7;
	v25 =	vand.u32 $0xFFFFFC00, v25  }
0x8d: {  	[tilespmem:s12+$0x6060] =	vst v22;
	v9 =	vadd.s32 v13, v15;
	v13 =	vand.u32 $0x380, v16;
	v15 =	vand.u32 $0x7F, v19  }
0x8e: {  	[tilespmem:s12+$0x8020] =	vst v4;
	v23 =	vadd.s32 v23, v25;
	v10 =	vor.u32 v13, v10;
	v1 =	vor.u32 v15, v1  }
0x8f: {  	[tilespmem:s12+$0x8000] =	vst v1;
	v1 =	vor.u32 v2, v10;
	v2 =	vor.u32 v6, v20;
	v6 =	vand.u32 $0x7F, v11  }
0x90: {  	v52 =	vadd.s32 v26, v28;
	[tilespmem:s12+$0x8010] =	vst v1;
	v1 =	vor.u32 v12, v23;
	v2 =	vor.u32 v6, v2  }
0x91: {  	v4 =	vor.u32 v8, v52;
	v6 =	vand.u32 $0x7F, v17;
	v1 =	vor.u32 v5, v1;
	[tilespmem:s12+$0x8030] =	vst v2  }
0x92: {  	v2 =	vor.u32 v3, v9;
	v3 =	vand.u32 $0x7F, v24;
	v4 =	vor.u32 v6, v4;
	[tilespmem:s12+$0x8040] =	vst v1  }
0x93: {  	v1 =	vor.u32 v3, v2;
	[tilespmem:s12+$0x8050] =	vst v4  }
0x94: {  	s0 =	simm.s32 $0x0;
	[tilespmem:s12+$0x8060] =	vst v1  }
0x95: {  	[tilespmem:s19], [sflag:$0x3] =	stream.indirect.gather [hbm4b:s1+s17], $0x1, s18, s17, $0xb8;
	[tilespmem:$0xE280] =	vst v63  }
0x96: {  	v3 =	vld [tilespmem:s0+$0x1070]  }
0x97: {  	v6 =	vld [tilespmem:s0+$0x3070]  }
0x98: {  	v8 =	vld [tilespmem:s0+$0x1000]  }
0x99: {  	v1 =	vld [tilespmem:s0+$0x3000]  }
0x9a: {  	v9 =	vld [tilespmem:s0+$0x1010]  }
0x9b: {  	v2 =	vld [tilespmem:s0+$0x3010]  }
0x9c: {  	v10 =	vld [tilespmem:s0+$0x1020]  }
0x9d: {  	v4 =	vld [tilespmem:s0+$0x3020]  }
0x9e: {  	v12 =	vld [tilespmem:s0+$0x1030]  }
0x9f: {  	v16 =	vld [tilespmem:s0+$0x1050]  }
0xa0: {  	v22 =	vld [tilespmem:s0+$0x1060];
	v5 =	vshll.u32 v3, $0xC;
	v7 =	vshll.u32 v6, $0x3  }
0xa1: {  	v11 =	vshll.u32 v3, $0x7;
	v6 =	vand.u32 $0x7F, v6;
	v13 =	vshll.u32 v1, $0x3  }
0xa2: {  	v14 =	vshll.u32 v9, $0xC;
	v15 =	vshll.u32 v2, $0x3;
	v18 =	vshll.u32 v10, $0xC  }
0xa3: {  	v19 =	vshll.u32 v4, $0x3;
	v53 =	vshll.u32 v12, $0xC;
	[tilespmem:s0+$0x7020] =	vst v10;
	v54 =	vshll.u32 v8, $0x7  }
0xa4: {  	v55 =	vshll.u32 v9, $0x7;
	[tilespmem:s0+$0x7030] =	vst v12;
	v10 =	vshll.u32 v10, $0x7;
	v12 =	vshll.u32 v12, $0x7  }
0xa5: {  	v58 =	vshll.u32 v16, $0xC;
	v29 =	vshll.u32 v22, $0x7;
	v5 =	vand.u32 $0xFFFF8000, v5  }
0xa6: {  	v7 =	vand.u32 $0xFFFFFC00, v7;
	v11 =	vand.u32 $0x380, v11;
	v13 =	vand.u32 $0xFFFFFC00, v13  }
0xa7: {  	v14 =	vand.u32 $0xFFFF8000, v14;
	v15 =	vand.u32 $0xFFFFFC00, v15;
	v7 =	vadd.s32 v5, v7;
	v5 =	vld [tilespmem:s0+$0x3030]  }
0xa8: {  	v18 =	vand.u32 $0xFFFF8000, v18;
	v19 =	vand.u32 $0xFFFFFC00, v19;
	v20 =	vand.u32 $0xFFFF8000, v53  }
0xa9: {  	v26 =	vand.u32 $0xFFFF8000, v58;
	v21 =	vand.u32 $0x380, v54;
	v7 =	vor.u32 v11, v7;
	v11 =	vld [tilespmem:s0+$0x1040]  }
0xaa: {  	v10 =	vand.u32 $0x380, v10;
	v12 =	vand.u32 $0x380, v12;
	v7 =	vor.u32 v6, v7  }
0xab: {  	v14 =	vadd.s32 v14, v15;
	v15 =	vshll.u32 v16, $0x7;
	v6 =	vld [tilespmem:s0+$0x3040];
	[tilespmem:s0+$0x9070] =	vst v7;
	v7 =	vshll.u32 v8, $0xC  }
0xac: {  	[tilespmem:s0+$0x7000] =	vst v8;
	v18 =	vadd.s32 v18, v19;
	v17 =	vand.u32 $0xFFFF8000, v7;
	v7 =	vld [tilespmem:s0+$0x3050];
	v8 =	vshll.u32 v5, $0x3  }
0xad: {  	[tilespmem:s0+$0x7010] =	vst v9;
	v63 =	vand.u32 $0x380, v15;
	v13 =	vadd.s32 v17, v13;
	v9 =	vand.u32 $0xFFFFFC00, v8;
	v8 =	vld [tilespmem:s0+$0x3060]  }
0xae: {  	[tilespmem:s0+$0x7050] =	vst v16;
	v17 =	vshll.u32 v22, $0xC;
	v56 =	vshll.u32 v11, $0xC;
	v59 =	vshll.u32 v11, $0x7  }
0xaf: {  	v17 =	vand.u32 $0xFFFF8000, v17;
	[tilespmem:s0+$0x7040] =	vst v11;
	v11 =	vand.u32 $0x380, v29;
	v16 =	vor.u32 v21, v13  }
0xb0: {  	v13 =	vor.u32 v10, v18;
	v24 =	vand.u32 $0xFFFF8000, v56;
	v57 =	vshll.u32 v6, $0x3  }
0xb1: {  	v20 =	vadd.s32 v20, v9;
	v62 =	vand.u32 $0x380, v59;
	v60 =	vshll.u32 v7, $0x3  }
0xb2: {  	v25 =	vand.u32 $0xFFFFFC00, v57;
	v28 =	vand.u32 $0xFFFFFC00, v60;
	v19 =	vshll.u32 v8, $0x3  }
0xb3: {  	[tilespmem:s0+$0x7070] =	vst v3;
	v61 =	vadd.s32 v26, v28;
	v9 =	vand.u32 $0xFFFFFC00, v19;
	v19 =	vadd.s32 v24, v25  }
0xb4: {  	s12 =	simm.s32 $0x80;
	[tilespmem:s0+$0x7060] =	vst v22;
	v10 =	vor.u32 v63, v61;
	v9 =	vadd.s32 v17, v9;
	v17 =	vand.u32 $0x380, v55  }
0xb5: {  	s29 =	simm.s32 $0x400;
	v3 =	vld [tilespmem:s12+$0x1070];
	v15 =	vor.u32 v17, v14;
	v14 =	vor.u32 v12, v20;
	v12 =	vor.u32 v62, v19  }
.LBB2_4:
0xb6: {  	p0 =	sne.s32 s29, $0x3E00;
	v17 =	vld [tilespmem:s12+$0x3070];
	v18 =	vand.u32 $0x7F, v1;
	v2 =	vand.u32 $0x7F, v2;
	v9 =	vor.u32 v11, v9  }
0xb7: {  	v4 =	vand.u32 $0x7F, v4;
	v5 =	vand.u32 $0x7F, v5;
	v6 =	vand.u32 $0x7F, v6;
	v11 =	vld [tilespmem:s12+$0x1000]  }
0xb8: {  	v7 =	vand.u32 $0x7F, v7;
	v8 =	vand.u32 $0x7F, v8;
	v16 =	vor.u32 v18, v16;
	v1 =	vld [tilespmem:s12+$0x3000]  }
0xb9: {  	v15 =	vor.u32 v2, v15;
	v4 =	vor.u32 v4, v13;
	v5 =	vor.u32 v5, v14;
	v18 =	vld [tilespmem:s12+$0x1010];
	[tilespmem:s0+$0x9000] =	vst v16  }
0xba: {  	v6 =	vor.u32 v6, v12;
	v7 =	vor.u32 v7, v10;
	v8 =	vor.u32 v8, v9;
	v2 =	vld [tilespmem:s12+$0x3010];
	[tilespmem:s0+$0x9010] =	vst v15  }
0xbb: {  	v10 =	vshll.u32 v3, $0xC;
	v9 =	vld [tilespmem:s12+$0x1020];
	v12 =	vshll.u32 v17, $0x3;
	[tilespmem:s0+$0x9020] =	vst v4  }
0xbc: {  	v13 =	vshll.u32 v3, $0x7;
	v10 =	vand.u32 $0xFFFF8000, v10;
	v4 =	vld [tilespmem:s12+$0x3020];
	v12 =	vand.u32 $0xFFFFFC00, v12;
	[tilespmem:s0+$0x9030] =	vst v5  }
0xbd: {  	v14 =	vshll.u32 v11, $0xC;
	v15 =	vld [tilespmem:s12+$0x1030];
	v10 =	vadd.s32 v10, v12;
	v12 =	vand.u32 $0x380, v13;
	[tilespmem:s0+$0x9040] =	vst v6  }
0xbe: {  	v6 =	vshll.u32 v1, $0x3;
	v5 =	vld [tilespmem:s12+$0x3030];
	v10 =	vor.u32 v12, v10;
	v12 =	vand.u32 $0x7F, v17;
	[tilespmem:s0+$0x9050] =	vst v7  }
0xbf: {  	v7 =	vshll.u32 v18, $0xC;
	v13 =	vshll.u32 v2, $0x3;
	v16 =	vld [tilespmem:s12+$0x1040];
	v10 =	vor.u32 v12, v10;
	[tilespmem:s0+$0x9060] =	vst v8;
	s0 =	smov.u32 s12  }
0xc0: {  	v12 =	vand.u32 $0xFFFF8000, v14;
	v14 =	vand.u32 $0xFFFFFC00, v6;
	v8 =	vshll.u32 v9, $0xC;
	v6 =	vld [tilespmem:s0+$0x3040];
	[tilespmem:s0+$0x9070] =	vst v10  }
0xc1: {  	v10 =	vand.u32 $0xFFFF8000, v7;
	v13 =	vand.u32 $0xFFFFFC00, v13;
	[tilespmem:s0+$0x7000] =	vst v11;
	v7 =	vshll.u32 v4, $0x3;
	v17 =	vld [tilespmem:s0+$0x1050]  }
0xc2: {  	v19 =	vand.u32 $0xFFFF8000, v8;
	[tilespmem:s0+$0x7010] =	vst v18;
	v20 =	vand.u32 $0xFFFFFC00, v7;
	v8 =	vshll.u32 v15, $0xC;
	v7 =	vld [tilespmem:s0+$0x3050]  }
0xc3: {  	v11 =	vshll.u32 v11, $0x7;
	[tilespmem:s0+$0x7020] =	vst v9;
	v21 =	vand.u32 $0xFFFF8000, v8;
	v8 =	vshll.u32 v5, $0x3;
	v22 =	vld [tilespmem:s0+$0x1060]  }
0xc4: {  	v18 =	vshll.u32 v18, $0x7;
	v23 =	vand.u32 $0xFFFFFC00, v8;
	[tilespmem:s0+$0x7030] =	vst v15;
	v24 =	vshll.u32 v16, $0xC;
	v8 =	vld [tilespmem:s0+$0x3060]  }
0xc5: {  	v25 =	vshll.u32 v9, $0x7;
	v9 =	vand.u32 $0xFFFF8000, v24;
	v24 =	vshll.u32 v6, $0x3;
	[tilespmem:s0+$0x7040] =	vst v16  }
0xc6: {  	v15 =	vshll.u32 v15, $0x7;
	v24 =	vand.u32 $0xFFFFFC00, v24;
	v26 =	vshll.u32 v17, $0xC;
	[tilespmem:s0+$0x7050] =	vst v17  }
0xc7: {  	v16 =	vshll.u32 v16, $0x7;
	v26 =	vand.u32 $0xFFFF8000, v26;
	v27 =	vshll.u32 v7, $0x3;
	[tilespmem:s0+$0x7070] =	vst v3  }
0xc8: {  	v17 =	vshll.u32 v17, $0x7;
	v3 =	vand.u32 $0xFFFFFC00, v27;
	v27 =	vshll.u32 v22, $0xC;
	[tilespmem:s0+$0x7060] =	vst v22  }
0xc9: {  	v22 =	vshll.u32 v22, $0x7;
	v27 =	vand.u32 $0xFFFF8000, v27;
	v28 =	vshll.u32 v8, $0x3  }
0xca: {  	v12 =	vadd.s32 v12, v14;
	v10 =	vadd.s32 v10, v13;
	v13 =	vand.u32 $0xFFFFFC00, v28  }
0xcb: {  	v14 =	vadd.s32 v19, v20;
	v19 =	vadd.s32 v21, v23;
	v20 =	vadd.s32 v9, v24  }
.Ltmp1:
0xcc: {  	v21 =	vand.u32 $0x380, v11;
	v23 =	vadd.s32 v26, v3;
	v9 =	vadd.s32 v27, v13;
	(pc) =	sbr.rel @p0 .LBB2_4-.Ltmp1, $4  }
0xcd: {  	v3 =	vand.u32 $0x380, v18;
	v18 =	vand.u32 $0x380, v15;
	v13 =	vand.u32 $0x380, v25  }
0xce: {  	v24 =	vand.u32 $0x380, v16;
	v17 =	vand.u32 $0x380, v17;
	v11 =	vand.u32 $0x380, v22  }
0xcf: {  	s12 =	sshra.s32 s29, $0x2;
	v16 =	vor.u32 v21, v12;
	v15 =	vor.u32 v3, v10;
	v13 =	vor.u32 v13, v14  }
0xd0: {  	s29 =	sadd.s32 $0x200, s29;
	v12 =	vor.u32 v24, v20;
	v10 =	vor.u32 v17, v23;
	v14 =	vor.u32 v18, v19;
	v3 =	vld [tilespmem:s12+$0x1070]  }
0xd1: {  	v17 =	vld [tilespmem:s12+$0x3070]  }
0xd2: {  	v18 =	vld [tilespmem:s12+$0x1000];
	v1 =	vand.u32 $0x7F, v1  }
0xd3: {  	v19 =	vld [tilespmem:s12+$0x3000];
	v2 =	vand.u32 $0x7F, v2;
	v4 =	vand.u32 $0x7F, v4;
	v1 =	vor.u32 v1, v16  }
0xd4: {  	v32 =	vld [tilespmem:s12+$0x1010];
	v5 =	vand.u32 $0x7F, v5;
	v6 =	vand.u32 $0x7F, v6;
	[tilespmem:s0+$0x9000] =	vst v1;
	v1 =	vor.u32 v2, v15  }
0xd5: {  	v9 =	vor.u32 v11, v9;
	v7 =	vand.u32 $0x7F, v7;
	v2 =	vld [tilespmem:s12+$0x3010];
	[tilespmem:s0+$0x9010] =	vst v1;
	v1 =	vor.u32 v4, v13  }
0xd6: {  	v8 =	vand.u32 $0x7F, v8;
	v33 =	vld [tilespmem:s12+$0x1020];
	[tilespmem:s0+$0x9020] =	vst v1;
	v1 =	vor.u32 v5, v14;
	v36 =	vshll.u32 v3, $0xC  }
0xd7: {  	v39 =	vshll.u32 v3, $0x7;
	v34 =	vld [tilespmem:s12+$0x3020];
	[tilespmem:s0+$0x9030] =	vst v1;
	v1 =	vor.u32 v6, v12;
	v37 =	vshll.u32 v17, $0x3  }
0xd8: {  	v40 =	vand.u32 $0x380, v39;
	v42 =	vand.u32 $0x7F, v17;
	v44 =	vshll.u32 v19, $0x3  }
0xd9: {  	v45 =	vshll.u32 v32, $0xC;
	v16 =	vshll.u32 v32, $0x7;
	v59 =	vand.u32 $0x7F, v19  }
0xda: {  	v35 =	vld [tilespmem:s12+$0x1030];
	[tilespmem:s0+$0x9040] =	vst v1;
	v1 =	vor.u32 v7, v10;
	v7 =	vand.u32 $0xFFFF8000, v36;
	v10 =	vand.u32 $0xFFFFFC00, v37  }
0xdb: {  	v57 =	vand.u32 $0x380, v16;
	v38 =	vld [tilespmem:s12+$0x3030];
	[tilespmem:s0+$0x9050] =	vst v1;
	v1 =	vor.u32 v8, v9;
	v7 =	vadd.s32 v7, v10  }
0xdc: {  	v8 =	vand.u32 $0xFFFFFC00, v44;
	v10 =	vand.u32 $0xFFFF8000, v45;
	v7 =	vor.u32 v40, v7  }
0xdd: {  	v41 =	vld [tilespmem:s12+$0x1040];
	[tilespmem:s0+$0x9060] =	vst v1;
	v47 =	vshll.u32 v2, $0x3;
	v2 =	vand.u32 $0x7F, v2;
	v1 =	vor.u32 v42, v7  }
0xde: {  	v48 =	vshll.u32 v33, $0xC;
	v13 =	vand.u32 $0xFFFFFC00, v47;
	v4 =	vshll.u32 v33, $0x7  }
0xdf: {  	[tilespmem:s12+$0x9070] =	vst v1;
	v1 =	vshll.u32 v18, $0xC;
	v49 =	vshll.u32 v34, $0x3;
	v14 =	vand.u32 $0xFFFF8000, v48  }
0xe0: {  	v43 =	vld [tilespmem:s12+$0x3040];
	[tilespmem:s12+$0x7000] =	vst v18;
	v18 =	vshll.u32 v18, $0x7;
	v10 =	vadd.s32 v10, v13;
	v4 =	vand.u32 $0x380, v4  }
0xe1: {  	v46 =	vld [tilespmem:s12+$0x1050];
	v5 =	vand.u32 $0x7F, v34;
	v1 =	vand.u32 $0xFFFF8000, v1;
	v15 =	vand.u32 $0xFFFFFC00, v49  }
0xe2: {  	v50 =	vld [tilespmem:s12+$0x3050];
	v20 =	vshll.u32 v35, $0xC;
	v6 =	vshll.u32 v35, $0x7;
	v18 =	vand.u32 $0x380, v18  }
0xe3: {  	v22 =	vld [tilespmem:s12+$0x1060];
	v10 =	vor.u32 v57, v10;
	v21 =	vshll.u32 v38, $0x3;
	v20 =	vand.u32 $0xFFFF8000, v20  }
0xe4: {  	v24 =	vld [tilespmem:s12+$0x3060];
	v1 =	vadd.s32 v1, v8;
	v14 =	vadd.s32 v14, v15;
	v6 =	vand.u32 $0x380, v6  }
0xe5: {  	v60 =	vand.u32 $0x7F, v38;
	v21 =	vand.u32 $0xFFFFFC00, v21;
	v23 =	vshll.u32 v41, $0xC  }
0xe6: {  	[tilespmem:s12+$0x7010] =	vst v32;
	v27 =	vshll.u32 v41, $0x7;
	v1 =	vor.u32 v18, v1;
	v4 =	vor.u32 v4, v14  }
0xe7: {  	[tilespmem:s12+$0x7020] =	vst v33;
	v25 =	vshll.u32 v43, $0x3;
	v23 =	vand.u32 $0xFFFF8000, v23;
	v26 =	vshll.u32 v46, $0xC  }
0xe8: {  	[tilespmem:s12+$0x7070] =	vst v3;
	v28 =	vshll.u32 v50, $0x3;
	v51 =	vshll.u32 v46, $0x7;
	v52 =	vshll.u32 v22, $0xC  }
0xe9: {  	[tilespmem:s12+$0x7030] =	vst v35;
	v53 =	vshll.u32 v24, $0x3;
	v20 =	vadd.s32 v20, v21;
	v54 =	vshll.u32 v22, $0x7  }
0xea: {  	[tilespmem:s12+$0x7040] =	vst v41;
	v58 =	vand.u32 $0x380, v27;
	v1 =	vor.u32 v59, v1;
	v4 =	vor.u32 v5, v4  }
0xeb: {  	[tilespmem:s12+$0x7050] =	vst v46;
	v61 =	vand.u32 $0x7F, v43;
	v63 =	vand.u32 $0x7F, v50;
	v25 =	vand.u32 $0xFFFFFC00, v25  }
0xec: {  	[tilespmem:s12+$0x7060] =	vst v22;
	v26 =	vand.u32 $0xFFFF8000, v26;
	v28 =	vand.u32 $0xFFFFFC00, v28;
	v13 =	vand.u32 $0xFFFF8000, v52  }
0xed: {  	v15 =	vand.u32 $0xFFFFFC00, v53;
	v8 =	vand.u32 $0x380, v51;
	v3 =	vand.u32 $0x380, v54;
	[tilespmem:s12+$0x9000] =	vst v1  }
0xee: {  	v1 =	vor.u32 v2, v10;
	v2 =	vor.u32 v6, v20;
	[tilespmem:s12+$0x9020] =	vst v4;
	v23 =	vadd.s32 v23, v25  }
0xef: {  	v55 =	vadd.s32 v26, v28;
	[tilespmem:s12+$0x9010] =	vst v1;
	v2 =	vor.u32 v60, v2;
	v1 =	vor.u32 v58, v23  }
0xf0: {  	v56 =	vadd.s32 v13, v15;
	v62 =	vor.u32 v8, v55;
	[tilespmem:s12+$0x9030] =	vst v2;
	v1 =	vor.u32 v61, v1  }
0xf1: {  	v2 =	vor.u32 v3, v56;
	v3 =	vand.u32 $0x7F, v24;
	v4 =	vor.u32 v63, v62;
	[tilespmem:s12+$0x9040] =	vst v1  }
0xf2: {  	v1 =	vor.u32 v3, v2;
	[tilespmem:s12+$0x9050] =	vst v4  }
0xf3: {  	s0 =	simm.s32 $0x4040;
	[tilespmem:s12+$0x9060] =	vst v1  }
0xf4: {  	[tilespmem:s21], [sflag:$0x4] =	stream.indirect.gather [hbm4b:s1+s17], $0x1, s20, s17, $0xb8;
	[tilespmem:$0xE280] =	vst v63  }
0xf5: {  	v1 =	vld [tilespmem:s0+$0xFFFFFFC0];
	_ =	sdelay $0x4  }
0xf6: {  	v1 =	vsub.f32 $0.0e+00, v1;
	_ =	sdelay $0x1  }
0xf7: {  	v1 =	vmul.f32 $1.442695020e+00, v1;
	_ =	sdelay $0x1  }
0xf8: {  	(erf) = vpow2.f32 v1;
	_ =	sdelay $0x8  }
0xf9: {  	v1 =	vpop (erf)  }
0xfa: {  	v1 =	vadd.f32 $1.000000000e+00, v1;
	_ =	sdelay $0x1  }
0xfb: {  	(erf) = vrcp.f32 v1;
	_ =	sdelay $0x8  }
0xfc: {  	s13 =	simm.s32 $0xC000;
	v1 =	vpop (erf)  }
0xfd: {  	[tilespmem:s13+$0x0] =	vst v1  }
0xfe: {  	v1 =	vld [tilespmem:s0+$0xFFFFFFD0];
	_ =	sdelay $0x4  }
0xff: {  	v1 =	vsub.f32 $0.0e+00, v1;
	_ =	sdelay $0x1  }
0x100: {  	v1 =	vmul.f32 $1.442695020e+00, v1;
	_ =	sdelay $0x1  }
0x101: {  	(erf) = vpow2.f32 v1;
	_ =	sdelay $0x8  }
0x102: {  	v1 =	vpop (erf)  }
0x103: {  	v1 =	vadd.f32 $1.000000000e+00, v1;
	_ =	sdelay $0x1  }
0x104: {  	(erf) = vrcp.f32 v1;
	_ =	sdelay $0x8  }
0x105: {  	v1 =	vpop (erf)  }
0x106: {  	[tilespmem:s13+$0x10] =	vst v1  }
0x107: {  	v1 =	vld [tilespmem:s0+$0xFFFFFFE0];
	_ =	sdelay $0x4  }
0x108: {  	v1 =	vsub.f32 $0.0e+00, v1;
	_ =	sdelay $0x1  }
0x109: {  	v1 =	vmul.f32 $1.442695020e+00, v1;
	_ =	sdelay $0x1  }
0x10a: {  	(erf) = vpow2.f32 v1;
	_ =	sdelay $0x8  }
0x10b: {  	v1 =	vpop (erf)  }
0x10c: {  	v1 =	vadd.f32 $1.000000000e+00, v1;
	_ =	sdelay $0x1  }
0x10d: {  	(erf) = vrcp.f32 v1;
	_ =	sdelay $0x8  }
0x10e: {  	v1 =	vpop (erf)  }
0x10f: {  	[tilespmem:s13+$0x20] =	vst v1  }
0x110: {  	v1 =	vld [tilespmem:s0+$0xFFFFFFF0];
	_ =	sdelay $0x4  }
0x111: {  	v1 =	vsub.f32 $0.0e+00, v1;
	_ =	sdelay $0x1  }
0x112: {  	v1 =	vmul.f32 $1.442695020e+00, v1;
	_ =	sdelay $0x1  }
0x113: {  	(erf) = vpow2.f32 v1;
	_ =	sdelay $0x8  }
0x114: {  	v1 =	vpop (erf)  }
0x115: {  	v1 =	vadd.f32 $1.000000000e+00, v1;
	_ =	sdelay $0x1  }
0x116: {  	(erf) = vrcp.f32 v1;
	_ =	sdelay $0x8  }
0x117: {  	v1 =	vpop (erf)  }
0x118: {  	[tilespmem:s13+$0x30] =	vst v1  }
0x119: {  	v1 =	vld [tilespmem:s0+$0x0];
	_ =	sdelay $0x4  }
0x11a: {  	v1 =	vsub.f32 $0.0e+00, v1;
	_ =	sdelay $0x1  }
0x11b: {  	v1 =	vmul.f32 $1.442695020e+00, v1;
	_ =	sdelay $0x1  }
0x11c: {  	(erf) = vpow2.f32 v1;
	_ =	sdelay $0x8  }
0x11d: {  	v1 =	vpop (erf)  }
0x11e: {  	v1 =	vadd.f32 $1.000000000e+00, v1;
	_ =	sdelay $0x1  }
0x11f: {  	(erf) = vrcp.f32 v1;
	_ =	sdelay $0x8  }
0x120: {  	v1 =	vpop (erf)  }
0x121: {  	[tilespmem:s13+$0x40] =	vst v1  }
0x122: {  	v1 =	vld [tilespmem:s0+$0x10];
	_ =	sdelay $0x4  }
0x123: {  	v1 =	vsub.f32 $0.0e+00, v1;
	_ =	sdelay $0x1  }
0x124: {  	v1 =	vmul.f32 $1.442695020e+00, v1;
	_ =	sdelay $0x1  }
0x125: {  	(erf) = vpow2.f32 v1;
	_ =	sdelay $0x8  }
0x126: {  	v1 =	vpop (erf)  }
0x127: {  	v1 =	vadd.f32 $1.000000000e+00, v1;
	_ =	sdelay $0x1  }
0x128: {  	(erf) = vrcp.f32 v1;
	_ =	sdelay $0x8  }
0x129: {  	v1 =	vpop (erf)  }
0x12a: {  	[tilespmem:s13+$0x50] =	vst v1  }
0x12b: {  	v1 =	vld [tilespmem:s0+$0x20];
	_ =	sdelay $0x4  }
0x12c: {  	v1 =	vsub.f32 $0.0e+00, v1;
	_ =	sdelay $0x1  }
0x12d: {  	v1 =	vmul.f32 $1.442695020e+00, v1;
	_ =	sdelay $0x1  }
0x12e: {  	(erf) = vpow2.f32 v1;
	_ =	sdelay $0x8  }
0x12f: {  	v1 =	vpop (erf)  }
0x130: {  	v1 =	vadd.f32 $1.000000000e+00, v1;
	_ =	sdelay $0x1  }
0x131: {  	(erf) = vrcp.f32 v1;
	_ =	sdelay $0x8  }
0x132: {  	v1 =	vpop (erf)  }
0x133: {  	[tilespmem:s13+$0x60] =	vst v1  }
0x134: {  	v1 =	vld [tilespmem:s0+$0x30];
	_ =	sdelay $0x4  }
0x135: {  	v1 =	vsub.f32 $0.0e+00, v1;
	_ =	sdelay $0x1  }
0x136: {  	v1 =	vmul.f32 $1.442695020e+00, v1;
	_ =	sdelay $0x1  }
0x137: {  	(erf) = vpow2.f32 v1;
	_ =	sdelay $0x8  }
0x138: {  	v1 =	vpop (erf)  }
0x139: {  	v1 =	vadd.f32 $1.000000000e+00, v1;
	_ =	sdelay $0x1  }
0x13a: {  	(erf) = vrcp.f32 v1;
	_ =	sdelay $0x8  }
0x13b: {  	v1 =	vpop (erf)  }
0x13c: {  	s29 =	simm.s32 $0x6000;
	p1 =	por $0x1, $0x1;
	[tilespmem:s13+$0x70] =	vst v1  }
0x13d: {  	[spmem:s3] =	stream.indirect.scatter.add.f32 [tilespmem:s13], [sflag:$0x2], $0x1, s29, s22, $0xb8;
	[tilespmem:$0xE280] =	vst v63  }
0x13e: {  	s30 =	simm.s32 $0x1;
	s13 =	simm.s32 @!p1 $0x2  }
0x13f: {  	s31 =	simm.s32 $0xC080;
	s0 =	simm.s32 $0x40C0;
	_ =	swait.ge @!p1 [sflag:s13], $0x80  }
.LBB2_6:
0x140: {  	[sflag:s13] =	ssyncset.done @!p1 $0x0  }
0x141: {  	s29 =	sadd.s32 $0x80, s29;
	s12 =	smov.u32 s30;
	s30 =	sadd.s32 $0x1, s30  }
0x142: {  	p0 =	sne.s32 s30, $0x40;
	[sflag:s13] =	ssyncadd.s32 @!p1 $0xFFFFFF80  }
0x143: {  	v1 =	vld [tilespmem:s0+$0xFFFFFFC0];
	_ =	sdelay $0x4  }
0x144: {  	v1 =	vsub.f32 $0.0e+00, v1;
	_ =	sdelay $0x1  }
0x145: {  	v1 =	vmul.f32 $1.442695020e+00, v1;
	_ =	sdelay $0x1  }
0x146: {  	(erf) = vpow2.f32 v1;
	_ =	sdelay $0x8  }
0x147: {  	v1 =	vpop (erf)  }
0x148: {  	v1 =	vadd.f32 $1.000000000e+00, v1;
	_ =	sdelay $0x1  }
0x149: {  	(erf) = vrcp.f32 v1;
	_ =	sdelay $0x8  }
0x14a: {  	v1 =	vpop (erf)  }
0x14b: {  	[tilespmem:s31+$0x0] =	vst v1  }
0x14c: {  	v1 =	vld [tilespmem:s0+$0xFFFFFFD0];
	_ =	sdelay $0x4  }
0x14d: {  	v1 =	vsub.f32 $0.0e+00, v1;
	_ =	sdelay $0x1  }
0x14e: {  	v1 =	vmul.f32 $1.442695020e+00, v1;
	_ =	sdelay $0x1  }
0x14f: {  	(erf) = vpow2.f32 v1;
	_ =	sdelay $0x8  }
0x150: {  	v1 =	vpop (erf)  }
0x151: {  	v1 =	vadd.f32 $1.000000000e+00, v1;
	_ =	sdelay $0x1  }
0x152: {  	(erf) = vrcp.f32 v1;
	_ =	sdelay $0x8  }
0x153: {  	v1 =	vpop (erf)  }
0x154: {  	[tilespmem:s31+$0x10] =	vst v1  }
0x155: {  	v1 =	vld [tilespmem:s0+$0xFFFFFFE0];
	_ =	sdelay $0x4  }
0x156: {  	v1 =	vsub.f32 $0.0e+00, v1;
	_ =	sdelay $0x1  }
0x157: {  	v1 =	vmul.f32 $1.442695020e+00, v1;
	_ =	sdelay $0x1  }
0x158: {  	(erf) = vpow2.f32 v1;
	_ =	sdelay $0x8  }
0x159: {  	v1 =	vpop (erf)  }
0x15a: {  	v1 =	vadd.f32 $1.000000000e+00, v1;
	_ =	sdelay $0x1  }
0x15b: {  	(erf) = vrcp.f32 v1;
	_ =	sdelay $0x8  }
0x15c: {  	v1 =	vpop (erf)  }
0x15d: {  	[tilespmem:s31+$0x20] =	vst v1  }
0x15e: {  	v1 =	vld [tilespmem:s0+$0xFFFFFFF0];
	_ =	sdelay $0x4  }
0x15f: {  	v1 =	vsub.f32 $0.0e+00, v1;
	_ =	sdelay $0x1  }
0x160: {  	v1 =	vmul.f32 $1.442695020e+00, v1;
	_ =	sdelay $0x1  }
0x161: {  	(erf) = vpow2.f32 v1;
	_ =	sdelay $0x8  }
0x162: {  	v1 =	vpop (erf)  }
0x163: {  	v1 =	vadd.f32 $1.000000000e+00, v1;
	_ =	sdelay $0x1  }
0x164: {  	(erf) = vrcp.f32 v1;
	_ =	sdelay $0x8  }
0x165: {  	v1 =	vpop (erf)  }
0x166: {  	[tilespmem:s31+$0x30] =	vst v1  }
0x167: {  	v1 =	vld [tilespmem:s0+$0x0];
	_ =	sdelay $0x4  }
0x168: {  	v1 =	vsub.f32 $0.0e+00, v1;
	_ =	sdelay $0x1  }
0x169: {  	v1 =	vmul.f32 $1.442695020e+00, v1;
	_ =	sdelay $0x1  }
0x16a: {  	(erf) = vpow2.f32 v1;
	_ =	sdelay $0x8  }
0x16b: {  	v1 =	vpop (erf)  }
0x16c: {  	v1 =	vadd.f32 $1.000000000e+00, v1;
	_ =	sdelay $0x1  }
0x16d: {  	(erf) = vrcp.f32 v1;
	_ =	sdelay $0x8  }
0x16e: {  	v1 =	vpop (erf)  }
0x16f: {  	[tilespmem:s31+$0x40] =	vst v1  }
0x170: {  	v1 =	vld [tilespmem:s0+$0x10];
	_ =	sdelay $0x4  }
0x171: {  	v1 =	vsub.f32 $0.0e+00, v1;
	_ =	sdelay $0x1  }
0x172: {  	v1 =	vmul.f32 $1.442695020e+00, v1;
	_ =	sdelay $0x1  }
0x173: {  	(erf) = vpow2.f32 v1;
	_ =	sdelay $0x8  }
0x174: {  	v1 =	vpop (erf)  }
0x175: {  	v1 =	vadd.f32 $1.000000000e+00, v1;
	_ =	sdelay $0x1  }
0x176: {  	(erf) = vrcp.f32 v1;
	_ =	sdelay $0x8  }
0x177: {  	v1 =	vpop (erf)  }
0x178: {  	[tilespmem:s31+$0x50] =	vst v1  }
0x179: {  	v1 =	vld [tilespmem:s0+$0x20];
	_ =	sdelay $0x4  }
0x17a: {  	v1 =	vsub.f32 $0.0e+00, v1;
	_ =	sdelay $0x1  }
0x17b: {  	v1 =	vmul.f32 $1.442695020e+00, v1;
	_ =	sdelay $0x1  }
0x17c: {  	(erf) = vpow2.f32 v1;
	_ =	sdelay $0x8  }
0x17d: {  	v1 =	vpop (erf)  }
0x17e: {  	v1 =	vadd.f32 $1.000000000e+00, v1;
	_ =	sdelay $0x1  }
0x17f: {  	(erf) = vrcp.f32 v1;
	_ =	sdelay $0x8  }
0x180: {  	v1 =	vpop (erf)  }
0x181: {  	[tilespmem:s31+$0x60] =	vst v1  }
0x182: {  	v1 =	vld [tilespmem:s0+$0x30];
	_ =	sdelay $0x4  }
0x183: {  	v1 =	vsub.f32 $0.0e+00, v1;
	_ =	sdelay $0x1  }
0x184: {  	v1 =	vmul.f32 $1.442695020e+00, v1;
	_ =	sdelay $0x1  }
0x185: {  	(erf) = vpow2.f32 v1;
	_ =	sdelay $0x8  }
0x186: {  	v1 =	vpop (erf)  }
0x187: {  	v1 =	vadd.f32 $1.000000000e+00, v1;
	_ =	sdelay $0x1  }
0x188: {  	(erf) = vrcp.f32 v1;
	_ =	sdelay $0x7  }
.Ltmp2:
0x189: {  	(pc) =	sbr.rel @p0 .LBB2_6-.Ltmp2, $4  }
0x18a: {  	p1 =	slt.u32 s12, $0x8;
	v1 =	vpop (erf)  }
0x18b: {  	s13 =	simm.s32 @!p1 $0x2;
	[tilespmem:s31+$0x70] =	vst v1  }
0x18c: {  	[spmem:s3] =	stream.indirect.scatter.add.f32 [tilespmem:s31], [sflag:$0x2], $0x1, s29, s22, $0xb8;
	[tilespmem:$0xE280] =	vst v63  }
0x18d: {  	s0 =	sadd.s32 $0x80, s0;
	s31 =	sadd.s32 $0x80, s31;
	_ =	swait.ge @!p1 [sflag:s13], $0x80  }
0x18e: {  	[sflag:s13] =	ssyncset.done @!p1 $0x0  }
0x18f: {  	[sflag:s13] =	ssyncadd.s32 @!p1 $0xFFFFFF80  }
0x190: {  	_ =	swait.ge [sflag:s23], $0x80  }
0x191: {  	[sflag:s23] =	ssyncset.done $0x0  }
0x192: {  	[sflag:s23] =	ssyncadd.s32 $0xFFFFFF80  }
0x193: {  	_ =	swait.ge [sflag:s23], $0x80  }
0x194: {  	[sflag:s23] =	ssyncset.done $0x0  }
0x195: {  	[sflag:s23] =	ssyncadd.s32 $0xFFFFFF80  }
0x196: {  	_ =	swait.ge [sflag:s23], $0x80  }
0x197: {  	[sflag:s23] =	ssyncset.done $0x0  }
0x198: {  	[sflag:s23] =	ssyncadd.s32 $0xFFFFFF80  }
0x199: {  	_ =	swait.ge [sflag:s23], $0x80  }
0x19a: {  	[sflag:s23] =	ssyncset.done $0x0  }
0x19b: {  	[sflag:s23] =	ssyncadd.s32 $0xFFFFFF80  }
0x19c: {  	_ =	swait.ge [sflag:s23], $0x80  }
0x19d: {  	[sflag:s23] =	ssyncset.done $0x0  }
0x19e: {  	[sflag:s23] =	ssyncadd.s32 $0xFFFFFF80  }
0x19f: {  	_ =	swait.ge [sflag:s23], $0x80  }
0x1a0: {  	[sflag:s23] =	ssyncset.done $0x0  }
0x1a1: {  	[sflag:s23] =	ssyncadd.s32 $0xFFFFFF80  }
0x1a2: {  	_ =	swait.ge [sflag:s23], $0x80  }
0x1a3: {  	[sflag:s23] =	ssyncset.done $0x0  }
0x1a4: {  	[sflag:s23] =	ssyncadd.s32 $0xFFFFFF80  }
0x1a5: {  	_ =	swait.ge [sflag:s23], $0x80  }
0x1a6: {  	[sflag:s23] =	ssyncset.done $0x0  }
0x1a7: {  	[sflag:s23] =	ssyncadd.s32 $0xFFFFFF80  }
0x1a8: {  	_ =	swait.ge [sflag:s24], $0x1000  }
0x1a9: {  	[sflag:s24] =	ssyncset.done $0x0  }
0x1aa: {  	s12 =	simm.s32 $0x0;
	[sflag:s24] =	ssyncadd.s32 $0xFFFFF000  }
0x1ab: {  	v1 =	vld [tilespmem:s12+$0xC000]  }
0x1ac: {  	v2 =	vld [tilespmem:s12+$0xA000]  }
0x1ad: {  	v3 =	vld [tilespmem:s12+$0xC010]  }
0x1ae: {  	v4 =	vld [tilespmem:s12+$0xA010]  }
0x1af: {  	v5 =	vld [tilespmem:s12+$0xC020]  }
0x1b0: {  	v6 =	vld [tilespmem:s12+$0xA020]  }
0x1b1: {  	v8 =	vld [tilespmem:s12+$0xA030];
	v1 =	vmul.f32 v2, v1  }
0x1b2: {  	v7 =	vimm.f32 $0.0e+00;
	v2 =	vld [tilespmem:s12+$0xC030]  }
0x1b3: {  	v9 =	vld [tilespmem:s12+$0xA040];
	v3 =	vmul.f32 v4, v3;
	v1 =	vadd.f32 v1, v7  }
0x1b4: {  	v7 =	vld [tilespmem:s12+$0xC040]  }
0x1b5: {  	v10 =	vld [tilespmem:s12+$0xC050];
	v1 =	vadd.f32 v3, v1;
	v3 =	vmul.f32 v6, v5  }
0x1b6: {  	v11 =	vld [tilespmem:s12+$0xA050]  }
0x1b7: {  	v4 =	vld [tilespmem:s12+$0xA060];
	v2 =	vmul.f32 v8, v2;
	v3 =	vadd.f32 v3, v1  }
0x1b8: {  	v1 =	vld [tilespmem:s12+$0xC060]  }
0x1b9: {  	v5 =	vld [tilespmem:s12+$0xA070];
	v7 =	vmul.f32 v9, v7;
	v6 =	vadd.f32 v2, v3  }
0x1ba: {  	s0 =	simm.s32 $0x80;
	v2 =	vld [tilespmem:s12+$0xC070]  }
0x1bb: {  	v3 =	vld [tilespmem:s0+$0xC000];
	s12 =	simm.s32 $0x400;
	v6 =	vadd.f32 v7, v6;
	v7 =	vmul.f32 v11, v10  }
.LBB2_8:
0x1bc: {  	p0 =	sne.s32 s12, $0x3E00;
	v8 =	vld [tilespmem:s0+$0xA000]  }
0x1bd: {  	v9 =	vld [tilespmem:s0+$0xC010];
	v6 =	vadd.f32 v7, v6;
	v1 =	vmul.f32 v4, v1  }
0x1be: {  	v4 =	vld [tilespmem:s0+$0xA010]  }
0x1bf: {  	v7 =	vld [tilespmem:s0+$0xC020];
	v1 =	vadd.f32 v1, v6;
	v2 =	vmul.f32 v5, v2  }
0x1c0: {  	v5 =	vld [tilespmem:s0+$0xA020]  }
0x1c1: {  	v3 =	vmul.f32 v8, v3;
	v6 =	vld [tilespmem:s0+$0xC030];
	v1 =	vadd.f32 v2, v1  }
0x1c2: {  	v2 =	vld [tilespmem:s0+$0xA030]  }
0x1c3: {  	v1 =	vadd.f32 v3, v1;
	v3 =	vmul.f32 v4, v9;
	v8 =	vld [tilespmem:s0+$0xC040]  }
0x1c4: {  	v9 =	vld [tilespmem:s0+$0xA040]  }
0x1c5: {  	v1 =	vadd.f32 v3, v1;
	v3 =	vmul.f32 v5, v7;
	v7 =	vld [tilespmem:s0+$0xC050]  }
0x1c6: {  	v10 =	vld [tilespmem:s0+$0xA050]  }
.Ltmp3:
0x1c7: {  	v3 =	vadd.f32 v3, v1;
	v2 =	vmul.f32 v2, v6;
	v1 =	vld [tilespmem:s0+$0xC060];
	(pc) =	sbr.rel @p0 .LBB2_8-.Ltmp3, $4  }
0x1c8: {  	v4 =	vld [tilespmem:s0+$0xA060]  }
0x1c9: {  	v6 =	vadd.f32 v2, v3;
	v8 =	vmul.f32 v9, v8;
	v2 =	vld [tilespmem:s0+$0xC070]  }
0x1ca: {  	v5 =	vld [tilespmem:s0+$0xA070];
	s0 =	sshra.s32 s12, $0x2  }
0x1cb: {  	s12 =	sadd.s32 $0x200, s12;
	v3 =	vld [tilespmem:s0+$0xC000];
	v6 =	vadd.f32 v8, v6;
	v7 =	vmul.f32 v10, v7  }
0x1cc: {  	v8 =	vld [tilespmem:s0+$0xA000]  }
0x1cd: {  	v9 =	vld [tilespmem:s0+$0xC010]  }
0x1ce: {  	v10 =	vld [tilespmem:s0+$0xA010]  }
0x1cf: {  	v11 =	vld [tilespmem:s0+$0xC020];
	v6 =	vadd.f32 v7, v6;
	v1 =	vmul.f32 v4, v1  }
0x1d0: {  	v59 =	vld [tilespmem:s0+$0xA050]  }
0x1d1: {  	v60 =	vld [tilespmem:s0+$0xC060];
	v1 =	vadd.f32 v1, v6;
	v2 =	vmul.f32 v5, v2  }
0x1d2: {  	v4 =	vld [tilespmem:s0+$0xA020]  }
0x1d3: {  	v7 =	vld [tilespmem:s0+$0xC030];
	v3 =	vmul.f32 v8, v3;
	v1 =	vadd.f32 v2, v1  }
0x1d4: {  	v5 =	vld [tilespmem:s0+$0xA030]  }
0x1d5: {  	v6 =	vld [tilespmem:s0+$0xC040];
	v1 =	vadd.f32 v3, v1;
	v3 =	vmul.f32 v10, v9  }
0x1d6: {  	v2 =	vld [tilespmem:s0+$0xA040]  }
0x1d7: {  	v61 =	vld [tilespmem:s0+$0xC070];
	v1 =	vadd.f32 v3, v1;
	v3 =	vmul.f32 v4, v11  }
0x1d8: {  	v8 =	vld [tilespmem:s0+$0xC050]  }
0x1d9: {  	v4 =	vld [tilespmem:s0+$0xA060];
	v1 =	vadd.f32 v3, v1;
	v3 =	vmul.f32 v5, v7  }
0x1da: {  	v5 =	vld [tilespmem:s0+$0xA070];
	_ =	swait.ge [sflag:s25], $0x1000  }
0x1db: {  	v2 =	vmul.f32 v2, v6;
	[sflag:s25] =	ssyncset.done $0x0;
	v1 =	vadd.f32 v3, v1  }
0x1dc: {  	s12 =	simm.s32 $0x0;
	[sflag:s25] =	ssyncadd.s32 $0xFFFFF000  }
0x1dd: {  	v3 =	vld [tilespmem:s12+$0xD000];
	v1 =	vadd.f32 v2, v1;
	v2 =	vmul.f32 v59, v8  }
0x1de: {  	v6 =	vld [tilespmem:s12+$0xB000]  }
0x1df: {  	v7 =	vld [tilespmem:s12+$0xB010];
	v1 =	vadd.f32 v2, v1;
	v2 =	vmul.f32 v4, v60  }
0x1e0: {  	v4 =	vld [tilespmem:s12+$0xD010]  }
0x1e1: {  	v8 =	vld [tilespmem:s12+$0xB020];
	v1 =	vadd.f32 v2, v1;
	v2 =	vmul.f32 v5, v61  }
0x1e2: {  	v5 =	vld [tilespmem:s12+$0xD020]  }
0x1e3: {  	v1 =	vadd.f32 v2, v1;
	v2 =	vmul.f32 v6, v3;
	v3 =	vld [tilespmem:s12+$0xD030]  }
0x1e4: {  	v6 =	vld [tilespmem:s12+$0xB030]  }
0x1e5: {  	v62 =	vld [tilespmem:s12+$0xB040];
	v1 =	vadd.f32 v2, v1;
	v2 =	vmul.f32 v7, v4  }
0x1e6: {  	v7 =	vld [tilespmem:s12+$0xD040]  }
0x1e7: {  	v63 =	vld [tilespmem:s12+$0xB050];
	v1 =	vadd.f32 v2, v1;
	v2 =	vmul.f32 v8, v5  }
0x1e8: {  	v8 =	vld [tilespmem:s12+$0xD050]  }
0x1e9: {  	v4 =	vld [tilespmem:s12+$0xB060];
	v3 =	vmul.f32 v6, v3;
	v2 =	vadd.f32 v2, v1  }
0x1ea: {  	v1 =	vld [tilespmem:s12+$0xD060]  }
0x1eb: {  	v5 =	vld [tilespmem:s12+$0xB070];
	v7 =	vmul.f32 v62, v7;
	v6 =	vadd.f32 v3, v2  }
0x1ec: {  	s0 =	simm.s32 $0x80;
	v2 =	vld [tilespmem:s12+$0xD070]  }
0x1ed: {  	v3 =	vld [tilespmem:s0+$0xD000];
	s12 =	simm.s32 $0x400;
	v6 =	vadd.f32 v7, v6;
	v7 =	vmul.f32 v63, v8  }
.LBB2_10:
0x1ee: {  	p0 =	sne.s32 s12, $0x3E00;
	v8 =	vld [tilespmem:s0+$0xB000]  }
0x1ef: {  	v9 =	vld [tilespmem:s0+$0xD010];
	v6 =	vadd.f32 v7, v6;
	v1 =	vmul.f32 v4, v1  }
0x1f0: {  	v4 =	vld [tilespmem:s0+$0xB010]  }
0x1f1: {  	v7 =	vld [tilespmem:s0+$0xD020];
	v1 =	vadd.f32 v1, v6;
	v2 =	vmul.f32 v5, v2  }
0x1f2: {  	v5 =	vld [tilespmem:s0+$0xB020]  }
0x1f3: {  	v3 =	vmul.f32 v8, v3;
	v6 =	vld [tilespmem:s0+$0xD030];
	v1 =	vadd.f32 v2, v1  }
0x1f4: {  	v2 =	vld [tilespmem:s0+$0xB030]  }
0x1f5: {  	v1 =	vadd.f32 v3, v1;
	v3 =	vmul.f32 v4, v9;
	v8 =	vld [tilespmem:s0+$0xD040]  }
0x1f6: {  	v9 =	vld [tilespmem:s0+$0xB040]  }
0x1f7: {  	v1 =	vadd.f32 v3, v1;
	v3 =	vmul.f32 v5, v7;
	v7 =	vld [tilespmem:s0+$0xD050]  }
0x1f8: {  	v10 =	vld [tilespmem:s0+$0xB050]  }
.Ltmp4:
0x1f9: {  	v3 =	vadd.f32 v3, v1;
	v2 =	vmul.f32 v2, v6;
	v1 =	vld [tilespmem:s0+$0xD060];
	(pc) =	sbr.rel @p0 .LBB2_10-.Ltmp4, $4  }
0x1fa: {  	v4 =	vld [tilespmem:s0+$0xB060]  }
0x1fb: {  	v6 =	vadd.f32 v2, v3;
	v8 =	vmul.f32 v9, v8;
	v2 =	vld [tilespmem:s0+$0xD070]  }
0x1fc: {  	v5 =	vld [tilespmem:s0+$0xB070];
	s0 =	sshra.s32 s12, $0x2  }
0x1fd: {  	s12 =	sadd.s32 $0x200, s12;
	v3 =	vld [tilespmem:s0+$0xD000];
	v6 =	vadd.f32 v8, v6;
	v7 =	vmul.f32 v10, v7  }
0x1fe: {  	v8 =	vld [tilespmem:s0+$0xB000]  }
0x1ff: {  	v9 =	vld [tilespmem:s0+$0xD010];
	v6 =	vadd.f32 v7, v6;
	v1 =	vmul.f32 v4, v1  }
0x200: {  	v53 =	vld [tilespmem:s0+$0xB010]  }
0x201: {  	v54 =	vld [tilespmem:s0+$0xD020];
	v1 =	vadd.f32 v1, v6;
	v2 =	vmul.f32 v5, v2  }
0x202: {  	v55 =	vld [tilespmem:s0+$0xB020]  }
0x203: {  	v56 =	vld [tilespmem:s0+$0xD030];
	v3 =	vmul.f32 v8, v3;
	v1 =	vadd.f32 v2, v1  }
0x204: {  	v2 =	vld [tilespmem:s0+$0xB030]  }
0x205: {  	v57 =	vld [tilespmem:s0+$0xD040];
	v1 =	vadd.f32 v3, v1;
	v3 =	vmul.f32 v53, v9  }
0x206: {  	v58 =	vld [tilespmem:s0+$0xB040]  }
0x207: {  	v59 =	vld [tilespmem:s0+$0xD050];
	v1 =	vadd.f32 v3, v1;
	v3 =	vmul.f32 v55, v54  }
0x208: {  	v60 =	vld [tilespmem:s0+$0xB050]  }
0x209: {  	v61 =	vld [tilespmem:s0+$0xB060];
	v2 =	vmul.f32 v2, v56;
	v1 =	vadd.f32 v3, v1  }
0x20a: {  	v3 =	vld [tilespmem:s0+$0xD060]  }
0x20b: {  	v62 =	vld [tilespmem:s0+$0xD070];
	v1 =	vadd.f32 v2, v1;
	v2 =	vmul.f32 v58, v57  }
0x20c: {  	v63 =	vld [tilespmem:s0+$0xB070]  }
0x20d: {  	v1 =	vadd.f32 v2, v1;
	v2 =	vmul.f32 v60, v59;
	_ =	sdelay $0x1  }
0x20e: {  	v1 =	vadd.f32 v2, v1;
	v2 =	vmul.f32 v61, v3;
	_ =	sdelay $0x1  }
0x20f: {  	v1 =	vadd.f32 v2, v1;
	v2 =	vmul.f32 v63, v62;
	_ =	sdelay $0x1  }
0x210: {  	v1 =	vadd.f32 v2, v1;
	_ =	sdelay $0x1  }
0x211: {  	[tilespmem:$0xE000] =	vst v1  }
0x212: {  	[hbm4b:s9+s4] =	stream.linear.scatter [tilespmem:s26], [sflag:$0x5], $0x10, $0x38;
	[tilespmem:$0xE280] =	vst v63  }
0x213: {  	_ =	swait.ge [sflag:s16], $0x10  }
0x214: {  	s31 =	sshll.u32 s2, $0x6;
	s28 =	sadd.s32 $0x1, s28;
	[sflag:s16] =	ssyncset.done $0x0  }
0x215: {  	s12 =	sshrl.u32 s8, $0x3;
	p0 =	sne.s32 s28, s11;
	[sflag:s16] =	ssyncadd.s32 $0xFFFFFFF0  }
.Ltmp5:
0x216: {  	s0 =	sor.u32 $0x1C05, s31;
	[bflag:$0x0] =	sbarrier.arrive $0xFFFF;
	(pc) =	sbr.rel @p0 .LBB2_1-.Ltmp5, $4  }
0x217: {  	[hbm:s10], [sflag:s0] =	dma.local [spmem:s12], $0x20  }
0x218: {  	_ =	swait.ge [sflag:s16], $0x20  }
0x219: {  	[sflag:s16] =	ssyncset.done $0x0  }
0x21a: {  	[sflag:s16] =	ssyncadd.s32 $0xFFFFFFE0  }
0x21b: {  	_ =	sfence.sel $0x180000  }
0x21c: {  	[bflag:$0x0] =	sbarrier.arrive $0xFFFF  }
0x21d: {  	_ =	strace $0x90000047  }
0x21e: {  	[bflag:$0x2] =	sbarrier.arrive $0xFFFF  }
0x21f: {  	p0 =	sne.s32 s2, $0x0;
	s0 =	rddreg [dreg:$0x4]  }
0x220: {  	s0 =	sadd.s32 @!p0 $0x100000, s0  }
0x221: {  	[sflag:s0] =	ssyncadd.tile.s32 @!p0 $0x1;
	_ =	shalt  }
.Lfunc_end2:
_tile_overlayer_lowered:
.L_overlay_start_2:
0x222: {  	(tag) =	ssettag $0x2  }
0x223: {  	s0 =	rddreg [dreg:$0x0];
	s2 =	stileid.u32  }
0x224: {  	s1 =	rddreg [dreg:$0x1];
	p0 =	sne.s32 s2, $0x0  }
0x225: {  	s3 =	rddreg [dreg:$0x2];
	[bflag:$0x3] =	sbarrier.arrive $0xFFFF;
	s2 =	simm.s32 @!p0 $0x1C05  }
0x226: {  	[timem:s3], [sflag:s2] =	dma.local @!p0 [hbm:s0], s1  }
0x227: {  	s0 =	simm.s32 @!p0 $0x5  }
0x228: {  	_ =	swait.ge @!p0 [sflag:s0], s1  }
0x229: {  	s1 =	ssub.s32 @!p0 $0x0, s1;
	[sflag:s0] =	ssyncset.done @!p0 $0x0  }
0x22a: {  	[sflag:s0] =	ssyncadd.s32 @!p0 s1  }
0x22b: {  	[bflag:$0x3] =	sbarrier.arrive $0xFFFF  }
0x22c: {  	_ =	shalt  }

</sc_bundles>
